<compile_context>
chip_gen: v7x
topology: tpu7x:2x2x1
jax: 0.10.2.dev20260603
libtpu: 0.0.44.dev20260713+nightly
codegen_flags: <defaults>
</compile_context>

<pallas_src>
import functools

import jax
import jax.numpy as jnp
from jax import lax
from jax.experimental import pallas as pl
from jax.experimental.pallas import tpu as pltpu
from jax.experimental.pallas import tpu_sc as plsc

B = 16384
C = 1000
CPAD = 1024
ROW_BLOCK = 2048
NB = B // ROW_BLOCK
NS = 16
CHUNK = B // NS
L = 16


def _entropy_body(x_ref, out_ref):
    x = x_ref[...]
    m = jnp.max(x, axis=1, keepdims=True)
    e = jnp.exp(x - m)
    s = jnp.sum(e, axis=1)
    u = jnp.sum(e * x, axis=1)
    ent = m[:, 0] + jnp.log(s) - u / s
    out_ref[...] = ent


def _rowwise_entropy(prediction):
    return pl.pallas_call(
        _entropy_body,
        grid=(NB,),
        in_specs=[pl.BlockSpec((ROW_BLOCK, C), lambda i: (i, 0))],
        out_specs=pl.BlockSpec((ROW_BLOCK,), lambda i: (i,)),
        out_shape=jax.ShapeDtypeStruct((B,), jnp.float32),
    )(prediction)


def _hist_body(ent_hbm, tgt_hbm, out_hbm,
               tgt_v, val_v, hist_v, part_v, out_v, shared):
    c = lax.axis_index("c")
    s = lax.axis_index("s")
    base = s * CHUNK

    zeros16 = jnp.zeros((L,), jnp.float32)

    for i in range(CPAD // L):
        hist_v[pl.ds(i * L, L)] = zeros16

    pltpu.sync_copy(tgt_hbm.at[pl.ds(base, CHUNK)], tgt_v)

    @pl.when(c == 0)
    def _():
        pltpu.sync_copy(ent_hbm.at[pl.ds(base, CHUNK)], val_v)

    @pl.when(c != 0)
    def _():
        ones16 = jnp.ones((L,), jnp.float32)
        for i in range(CHUNK // L):
            val_v[pl.ds(i * L, L)] = ones16

    for j in range(CHUNK // L):
        idx = tgt_v[pl.ds(j * L, L)]
        val = val_v[pl.ds(j * L, L)]
        plsc.addupdate_scatter(hist_v, [idx], val)

    pltpu.sync_copy(hist_v, shared.at[s])
    plsc.subcore_barrier()
    pltpu.sync_copy(shared, part_v)

    span = CPAD // NS
    for k in range(span // L):
        acc = zeros16
        for r in range(NS):
            acc = acc + part_v[r, pl.ds(s * span + k * L, L)]
        out_v[pl.ds(k * L, L)] = acc

    pltpu.sync_copy(out_v, out_hbm.at[pl.ds(c * CPAD + s * span, span)])


@functools.cache
def _hist_call():
    return pl.kernel(
        _hist_body,
        out_type=jax.ShapeDtypeStruct((2 * CPAD,), jnp.float32),
        mesh=plsc.VectorSubcoreMesh(core_axis_name="c", subcore_axis_name="s"),
        compiler_params=pltpu.CompilerParams(needs_layout_passes=False),
        scratch_types=[
            pltpu.VMEM((CHUNK,), jnp.int32),
            pltpu.VMEM((CHUNK,), jnp.float32),
            pltpu.VMEM((CPAD,), jnp.float32),
            pltpu.VMEM((NS, CPAD), jnp.float32),
            pltpu.VMEM((CPAD // NS,), jnp.float32),
            pltpu.VMEM_SHARED((NS, CPAD), jnp.float32),
        ],
    )


def kernel(prediction, target):
    ent = _rowwise_entropy(prediction)
    tgt = target.astype(jnp.int32)
    out = _hist_call()(ent, tgt)
    return out[:C], out[CPAD:CPAD + C]

# --- scband reference (transcript-rebuilt; emitter-appended) ---
"""Pipeline reference for scband-classwise-entropy-28484223107953 (READ-ONLY COPY).

The authoritative reference and input builder live on the scoring server;
editing this copy changes nothing except your own understanding.
"""

import jax, jax.numpy as jnp
import numpy as np

B = 16384
C = 1000

def setup_inputs(seed: int = 0) -> dict:
    key = jax.random.key(seed)
    k1, k2 = jax.random.split(key)
    prediction = jax.random.normal(k1, (B, C), dtype=jnp.float32)
    target = jax.random.randint(k2, (B,), 0, C, dtype=jnp.int64)
    return {"prediction": prediction, "target": target}


def reference(prediction, target):
    # Faithful translation of ClasswiseEntropy.forward (the math; the returned
    # PlottableHistogram carries (histogram, normalization) as its state).
    log_p = jax.nn.log_softmax(prediction, axis=1)
    p = jnp.exp(log_p)
    entropies = -jnp.sum(p * log_p, axis=1)
    num_classes = prediction.shape[1]
    histogram = jnp.zeros((num_classes,), dtype=entropies.dtype).at[target].add(entropies)
    normalization = jnp.zeros((num_classes,), dtype=jnp.float32).at[target].add(jnp.ones((prediction.shape[0],), dtype=jnp.float32))
    return (histogram, normalization)

if __name__ == "__main__":
    import jax
    _d = setup_inputs()
    print(jax.jit(kernel)(*tuple(_d.values())))

</pallas_src>

<mosaic_0001>
#map = affine_map<(d0, d1) -> (0)>
module attributes {stable_mosaic.version = 14 : i64} {
  func.func @_hist_body(%arg0: i32, %arg1: i32, %arg2: memref<16384xf32, #tpu.memory_space<hbm>>, %arg3: memref<16384xi32, #tpu.memory_space<hbm>>, %arg4: memref<2048xf32, #tpu.memory_space<hbm>>, %arg5: memref<1024xi32, #tpu.memory_space<vmem>>, %arg6: memref<1024xf32, #tpu.memory_space<vmem>>, %arg7: memref<1024xf32, #tpu.memory_space<vmem>>, %arg8: memref<16x1024xf32, #tpu.memory_space<vmem>>, %arg9: memref<64xf32, #tpu.memory_space<vmem>>, %arg10: memref<16x1024xf32, #tpu.memory_space<vmem_shared>>) attributes {dimension_semantics = [#tpu.dimension_semantics<core_parallel>, #tpu.dimension_semantics<subcore_parallel>], iteration_bounds = array<i64: 2, 16>, scalar_prefetch = 0 : i64, scratch_operands = 6 : i64, tpu.core_type = #tpu.core_type<sc_vector_subcore>, window_params = [{transform_indices = #map}, {transform_indices = #map}, {transform_indices = #map}]} {
    %mul3A = arith.constant 1024 : i32
    %mul3A_0 = arith.muli %arg1, %mul3A : i32
    %broadcast_in_dim3A = arith.constant 0.000000e+00 : f32
    %broadcast_in_dim3A_1 = vector.broadcast %broadcast_in_dim3A : f32 to vector<16xf32>
    %swap3A = arith.constant 0 : index
    %swap3A_2 = tpu.vector_load %arg7[%swap3A] {strides = array<i32>} : memref<1024xf32, #tpu.memory_space<vmem>>, vector<16xf32>,
    tpu.vector_store %arg7[%swap3A], %broadcast_in_dim3A_1 {strides = array<i32>} : memref<1024xf32, #tpu.memory_space<vmem>>, vector<16xf32>,
    %swap3A_3 = arith.constant 16 : index
    %swap3A_4 = tpu.vector_load %arg7[%swap3A_3] {strides = array<i32>} : memref<1024xf32, #tpu.memory_space<vmem>>, vector<16xf32>,
    tpu.vector_store %arg7[%swap3A_3], %broadcast_in_dim3A_1 {strides = array<i32>} : memref<1024xf32, #tpu.memory_space<vmem>>, vector<16xf32>,
    %swap3A_5 = arith.constant 32 : index
    %swap3A_6 = tpu.vector_load %arg7[%swap3A_5] {strides = array<i32>} : memref<1024xf32, #tpu.memory_space<vmem>>, vector<16xf32>,
    tpu.vector_store %arg7[%swap3A_5], %broadcast_in_dim3A_1 {strides = array<i32>} : memref<1024xf32, #tpu.memory_space<vmem>>, vector<16xf32>,
    %swap3A_7 = arith.constant 48 : index
    %swap3A_8 = tpu.vector_load %arg7[%swap3A_7] {strides = array<i32>} : memref<1024xf32, #tpu.memory_space<vmem>>, vector<16xf32>,
    tpu.vector_store %arg7[%swap3A_7], %broadcast_in_dim3A_1 {strides = array<i32>} : memref<1024xf32, #tpu.memory_space<vmem>>, vector<16xf32>,
    %swap3A_9 = arith.constant 64 : index
    %swap3A_10 = tpu.vector_load %arg7[%swap3A_9] {strides = array<i32>} : memref<1024xf32, #tpu.memory_space<vmem>>, vector<16xf32>,
    tpu.vector_store %arg7[%swap3A_9], %broadcast_in_dim3A_1 {strides = array<i32>} : memref<1024xf32, #tpu.memory_space<vmem>>, vector<16xf32>,
    %swap3A_11 = arith.constant 80 : index
    %swap3A_12 = tpu.vector_load %arg7[%swap3A_11] {strides = array<i32>} : memref<1024xf32, #tpu.memory_space<vmem>>, vector<16xf32>,
    tpu.vector_store %arg7[%swap3A_11], %broadcast_in_dim3A_1 {strides = array<i32>} : memref<1024xf32, #tpu.memory_space<vmem>>, vector<16xf32>,
    %swap3A_13 = arith.constant 96 : index
    %swap3A_14 = tpu.vector_load %arg7[%swap3A_13] {strides = array<i32>} : memref<1024xf32, #tpu.memory_space<vmem>>, vector<16xf32>,
    tpu.vector_store %arg7[%swap3A_13], %broadcast_in_dim3A_1 {strides = array<i32>} : memref<1024xf32, #tpu.memory_space<vmem>>, vector<16xf32>,
    %swap3A_15 = arith.constant 112 : index
    %swap3A_16 = tpu.vector_load %arg7[%swap3A_15] {strides = array<i32>} : memref<1024xf32, #tpu.memory_space<vmem>>, vector<16xf32>,
    tpu.vector_store %arg7[%swap3A_15], %broadcast_in_dim3A_1 {strides = array<i32>} : memref<1024xf32, #tpu.memory_space<vmem>>, vector<16xf32>,
    %swap3A_17 = arith.constant 128 : index
    %swap3A_18 = tpu.vector_load %arg7[%swap3A_17] {strides = array<i32>} : memref<1024xf32, #tpu.memory_space<vmem>>, vector<16xf32>,
    tpu.vector_store %arg7[%swap3A_17], %broadcast_in_dim3A_1 {strides = array<i32>} : memref<1024xf32, #tpu.memory_space<vmem>>, vector<16xf32>,
    %swap3A_19 = arith.constant 144 : index
    %swap3A_20 = tpu.vector_load %arg7[%swap3A_19] {strides = array<i32>} : memref<1024xf32, #tpu.memory_space<vmem>>, vector<16xf32>,
    tpu.vector_store %arg7[%swap3A_19], %broadcast_in_dim3A_1 {strides = array<i32>} : memref<1024xf32, #tpu.memory_space<vmem>>, vector<16xf32>,
    %swap3A_21 = arith.constant 160 : index
    %swap3A_22 = tpu.vector_load %arg7[%swap3A_21] {strides = array<i32>} : memref<1024xf32, #tpu.memory_space<vmem>>, vector<16xf32>,
    tpu.vector_store %arg7[%swap3A_21], %broadcast_in_dim3A_1 {strides = array<i32>} : memref<1024xf32, #tpu.memory_space<vmem>>, vector<16xf32>,
    %swap3A_23 = arith.constant 176 : index
    %swap3A_24 = tpu.vector_load %arg7[%swap3A_23] {strides = array<i32>} : memref<1024xf32, #tpu.memory_space<vmem>>, vector<16xf32>,
    tpu.vector_store %arg7[%swap3A_23], %broadcast_in_dim3A_1 {strides = array<i32>} : memref<1024xf32, #tpu.memory_space<vmem>>, vector<16xf32>,
    %swap3A_25 = arith.constant 192 : index
    %swap3A_26 = tpu.vector_load %arg7[%swap3A_25] {strides = array<i32>} : memref<1024xf32, #tpu.memory_space<vmem>>, vector<16xf32>,
    tpu.vector_store %arg7[%swap3A_25], %broadcast_in_dim3A_1 {strides = array<i32>} : memref<1024xf32, #tpu.memory_space<vmem>>, vector<16xf32>,
    %swap3A_27 = arith.constant 208 : index
    %swap3A_28 = tpu.vector_load %arg7[%swap3A_27] {strides = array<i32>} : memref<1024xf32, #tpu.memory_space<vmem>>, vector<16xf32>,
    tpu.vector_store %arg7[%swap3A_27], %broadcast_in_dim3A_1 {strides = array<i32>} : memref<1024xf32, #tpu.memory_space<vmem>>, vector<16xf32>,
    %swap3A_29 = arith.constant 224 : index
    %swap3A_30 = tpu.vector_load %arg7[%swap3A_29] {strides = array<i32>} : memref<1024xf32, #tpu.memory_space<vmem>>, vector<16xf32>,
    tpu.vector_store %arg7[%swap3A_29], %broadcast_in_dim3A_1 {strides = array<i32>} : memref<1024xf32, #tpu.memory_space<vmem>>, vector<16xf32>,
    %swap3A_31 = arith.constant 240 : index
    %swap3A_32 = tpu.vector_load %arg7[%swap3A_31] {strides = array<i32>} : memref<1024xf32, #tpu.memory_space<vmem>>, vector<16xf32>,
    tpu.vector_store %arg7[%swap3A_31], %broadcast_in_dim3A_1 {strides = array<i32>} : memref<1024xf32, #tpu.memory_space<vmem>>, vector<16xf32>,
    %swap3A_33 = arith.constant 256 : index
    %swap3A_34 = tpu.vector_load %arg7[%swap3A_33] {strides = array<i32>} : memref<1024xf32, #tpu.memory_space<vmem>>, vector<16xf32>,
    tpu.vector_store %arg7[%swap3A_33], %broadcast_in_dim3A_1 {strides = array<i32>} : memref<1024xf32, #tpu.memory_space<vmem>>, vector<16xf32>,
    %swap3A_35 = arith.constant 272 : index
    %swap3A_36 = tpu.vector_load %arg7[%swap3A_35] {strides = array<i32>} : memref<1024xf32, #tpu.memory_space<vmem>>, vector<16xf32>,
    tpu.vector_store %arg7[%swap3A_35], %broadcast_in_dim3A_1 {strides = array<i32>} : memref<1024xf32, #tpu.memory_space<vmem>>, vector<16xf32>,
    %swap3A_37 = arith.constant 288 : index
    %swap3A_38 = tpu.vector_load %arg7[%swap3A_37] {strides = array<i32>} : memref<1024xf32, #tpu.memory_space<vmem>>, vector<16xf32>,
    tpu.vector_store %arg7[%swap3A_37], %broadcast_in_dim3A_1 {strides = array<i32>} : memref<1024xf32, #tpu.memory_space<vmem>>, vector<16xf32>,
    %swap3A_39 = arith.constant 304 : index
    %swap3A_40 = tpu.vector_load %arg7[%swap3A_39] {strides = array<i32>} : memref<1024xf32, #tpu.memory_space<vmem>>, vector<16xf32>,
    tpu.vector_store %arg7[%swap3A_39], %broadcast_in_dim3A_1 {strides = array<i32>} : memref<1024xf32, #tpu.memory_space<vmem>>, vector<16xf32>,
    %swap3A_41 = arith.constant 320 : index
    %swap3A_42 = tpu.vector_load %arg7[%swap3A_41] {strides = array<i32>} : memref<1024xf32, #tpu.memory_space<vmem>>, vector<16xf32>,
    tpu.vector_store %arg7[%swap3A_41], %broadcast_in_dim3A_1 {strides = array<i32>} : memref<1024xf32, #tpu.memory_space<vmem>>, vector<16xf32>,
    %swap3A_43 = arith.constant 336 : index
    %swap3A_44 = tpu.vector_load %arg7[%swap3A_43] {strides = array<i32>} : memref<1024xf32, #tpu.memory_space<vmem>>, vector<16xf32>,
    tpu.vector_store %arg7[%swap3A_43], %broadcast_in_dim3A_1 {strides = array<i32>} : memref<1024xf32, #tpu.memory_space<vmem>>, vector<16xf32>,
    %swap3A_45 = arith.constant 352 : index
    %swap3A_46 = tpu.vector_load %arg7[%swap3A_45] {strides = array<i32>} : memref<1024xf32, #tpu.memory_space<vmem>>, vector<16xf32>,
    tpu.vector_store %arg7[%swap3A_45], %broadcast_in_dim3A_1 {strides = array<i32>} : memref<1024xf32, #tpu.memory_space<vmem>>, vector<16xf32>,
    %swap3A_47 = arith.constant 368 : index
    %swap3A_48 = tpu.vector_load %arg7[%swap3A_47] {strides = array<i32>} : memref<1024xf32, #tpu.memory_space<vmem>>, vector<16xf32>,
    tpu.vector_store %arg7[%swap3A_47], %broadcast_in_dim3A_1 {strides = array<i32>} : memref<1024xf32, #tpu.memory_space<vmem>>, vector<16xf32>,
    %swap3A_49 = arith.constant 384 : index
    %swap3A_50 = tpu.vector_load %arg7[%swap3A_49] {strides = array<i32>} : memref<1024xf32, #tpu.memory_space<vmem>>, vector<16xf32>,
    tpu.vector_store %arg7[%swap3A_49], %broadcast_in_dim3A_1 {strides = array<i32>} : memref<1024xf32, #tpu.memory_space<vmem>>, vector<16xf32>,
    %swap3A_51 = arith.constant 400 : index
    %swap3A_52 = tpu.vector_load %arg7[%swap3A_51] {strides = array<i32>} : memref<1024xf32, #tpu.memory_space<vmem>>, vector<16xf32>,
    tpu.vector_store %arg7[%swap3A_51], %broadcast_in_dim3A_1 {strides = array<i32>} : memref<1024xf32, #tpu.memory_space<vmem>>, vector<16xf32>,
    %swap3A_53 = arith.constant 416 : index
    %swap3A_54 = tpu.vector_load %arg7[%swap3A_53] {strides = array<i32>} : memref<1024xf32, #tpu.memory_space<vmem>>, vector<16xf32>,
    tpu.vector_store %arg7[%swap3A_53], %broadcast_in_dim3A_1 {strides = array<i32>} : memref<1024xf32, #tpu.memory_space<vmem>>, vector<16xf32>,
    %swap3A_55 = arith.constant 432 : index
    %swap3A_56 = tpu.vector_load %arg7[%swap3A_55] {strides = array<i32>} : memref<1024xf32, #tpu.memory_space<vmem>>, vector<16xf32>,
    tpu.vector_store %arg7[%swap3A_55], %broadcast_in_dim3A_1 {strides = array<i32>} : memref<1024xf32, #tpu.memory_space<vmem>>, vector<16xf32>,
    %swap3A_57 = arith.constant 448 : index
    %swap3A_58 = tpu.vector_load %arg7[%swap3A_57] {strides = array<i32>} : memref<1024xf32, #tpu.memory_space<vmem>>, vector<16xf32>,
    tpu.vector_store %arg7[%swap3A_57], %broadcast_in_dim3A_1 {strides = array<i32>} : memref<1024xf32, #tpu.memory_space<vmem>>, vector<16xf32>,
    %swap3A_59 = arith.constant 464 : index
    %swap3A_60 = tpu.vector_load %arg7[%swap3A_59] {strides = array<i32>} : memref<1024xf32, #tpu.memory_space<vmem>>, vector<16xf32>,
    tpu.vector_store %arg7[%swap3A_59], %broadcast_in_dim3A_1 {strides = array<i32>} : memref<1024xf32, #tpu.memory_space<vmem>>, vector<16xf32>,
    %swap3A_61 = arith.constant 480 : index
    %swap3A_62 = tpu.vector_load %arg7[%swap3A_61] {strides = array<i32>} : memref<1024xf32, #tpu.memory_space<vmem>>, vector<16xf32>,
    tpu.vector_store %arg7[%swap3A_61], %broadcast_in_dim3A_1 {strides = array<i32>} : memref<1024xf32, #tpu.memory_space<vmem>>, vector<16xf32>,
    %swap3A_63 = arith.constant 496 : index
    %swap3A_64 = tpu.vector_load %arg7[%swap3A_63] {strides = array<i32>} : memref<1024xf32, #tpu.memory_space<vmem>>, vector<16xf32>,
    tpu.vector_store %arg7[%swap3A_63], %broadcast_in_dim3A_1 {strides = array<i32>} : memref<1024xf32, #tpu.memory_space<vmem>>, vector<16xf32>,
    %swap3A_65 = arith.constant 512 : index
    %swap3A_66 = tpu.vector_load %arg7[%swap3A_65] {strides = array<i32>} : memref<1024xf32, #tpu.memory_space<vmem>>, vector<16xf32>,
    tpu.vector_store %arg7[%swap3A_65], %broadcast_in_dim3A_1 {strides = array<i32>} : memref<1024xf32, #tpu.memory_space<vmem>>, vector<16xf32>,
    %swap3A_67 = arith.constant 528 : index
    %swap3A_68 = tpu.vector_load %arg7[%swap3A_67] {strides = array<i32>} : memref<1024xf32, #tpu.memory_space<vmem>>, vector<16xf32>,
    tpu.vector_store %arg7[%swap3A_67], %broadcast_in_dim3A_1 {strides = array<i32>} : memref<1024xf32, #tpu.memory_space<vmem>>, vector<16xf32>,
    %swap3A_69 = arith.constant 544 : index
    %swap3A_70 = tpu.vector_load %arg7[%swap3A_69] {strides = array<i32>} : memref<1024xf32, #tpu.memory_space<vmem>>, vector<16xf32>,
    tpu.vector_store %arg7[%swap3A_69], %broadcast_in_dim3A_1 {strides = array<i32>} : memref<1024xf32, #tpu.memory_space<vmem>>, vector<16xf32>,
    %swap3A_71 = arith.constant 560 : index
    %swap3A_72 = tpu.vector_load %arg7[%swap3A_71] {strides = array<i32>} : memref<1024xf32, #tpu.memory_space<vmem>>, vector<16xf32>,
    tpu.vector_store %arg7[%swap3A_71], %broadcast_in_dim3A_1 {strides = array<i32>} : memref<1024xf32, #tpu.memory_space<vmem>>, vector<16xf32>,
    %swap3A_73 = arith.constant 576 : index
    %swap3A_74 = tpu.vector_load %arg7[%swap3A_73] {strides = array<i32>} : memref<1024xf32, #tpu.memory_space<vmem>>, vector<16xf32>,
    tpu.vector_store %arg7[%swap3A_73], %broadcast_in_dim3A_1 {strides = array<i32>} : memref<1024xf32, #tpu.memory_space<vmem>>, vector<16xf32>,
    %swap3A_75 = arith.constant 592 : index
    %swap3A_76 = tpu.vector_load %arg7[%swap3A_75] {strides = array<i32>} : memref<1024xf32, #tpu.memory_space<vmem>>, vector<16xf32>,
    tpu.vector_store %arg7[%swap3A_75], %broadcast_in_dim3A_1 {strides = array<i32>} : memref<1024xf32, #tpu.memory_space<vmem>>, vector<16xf32>,
    %swap3A_77 = arith.constant 608 : index
    %swap3A_78 = tpu.vector_load %arg7[%swap3A_77] {strides = array<i32>} : memref<1024xf32, #tpu.memory_space<vmem>>, vector<16xf32>,
    tpu.vector_store %arg7[%swap3A_77], %broadcast_in_dim3A_1 {strides = array<i32>} : memref<1024xf32, #tpu.memory_space<vmem>>, vector<16xf32>,
    %swap3A_79 = arith.constant 624 : index
    %swap3A_80 = tpu.vector_load %arg7[%swap3A_79] {strides = array<i32>} : memref<1024xf32, #tpu.memory_space<vmem>>, vector<16xf32>,
    tpu.vector_store %arg7[%swap3A_79], %broadcast_in_dim3A_1 {strides = array<i32>} : memref<1024xf32, #tpu.memory_space<vmem>>, vector<16xf32>,
    %swap3A_81 = arith.constant 640 : index
    %swap3A_82 = tpu.vector_load %arg7[%swap3A_81] {strides = array<i32>} : memref<1024xf32, #tpu.memory_space<vmem>>, vector<16xf32>,
    tpu.vector_store %arg7[%swap3A_81], %broadcast_in_dim3A_1 {strides = array<i32>} : memref<1024xf32, #tpu.memory_space<vmem>>, vector<16xf32>,
    %swap3A_83 = arith.constant 656 : index
    %swap3A_84 = tpu.vector_load %arg7[%swap3A_83] {strides = array<i32>} : memref<1024xf32, #tpu.memory_space<vmem>>, vector<16xf32>,
    tpu.vector_store %arg7[%swap3A_83], %broadcast_in_dim3A_1 {strides = array<i32>} : memref<1024xf32, #tpu.memory_space<vmem>>, vector<16xf32>,
    %swap3A_85 = arith.constant 672 : index
    %swap3A_86 = tpu.vector_load %arg7[%swap3A_85] {strides = array<i32>} : memref<1024xf32, #tpu.memory_space<vmem>>, vector<16xf32>,
    tpu.vector_store %arg7[%swap3A_85], %broadcast_in_dim3A_1 {strides = array<i32>} : memref<1024xf32, #tpu.memory_space<vmem>>, vector<16xf32>,
    %swap3A_87 = arith.constant 688 : index
    %swap3A_88 = tpu.vector_load %arg7[%swap3A_87] {strides = array<i32>} : memref<1024xf32, #tpu.memory_space<vmem>>, vector<16xf32>,
    tpu.vector_store %arg7[%swap3A_87], %broadcast_in_dim3A_1 {strides = array<i32>} : memref<1024xf32, #tpu.memory_space<vmem>>, vector<16xf32>,
    %swap3A_89 = arith.constant 704 : index
    %swap3A_90 = tpu.vector_load %arg7[%swap3A_89] {strides = array<i32>} : memref<1024xf32, #tpu.memory_space<vmem>>, vector<16xf32>,
    tpu.vector_store %arg7[%swap3A_89], %broadcast_in_dim3A_1 {strides = array<i32>} : memref<1024xf32, #tpu.memory_space<vmem>>, vector<16xf32>,
    %swap3A_91 = arith.constant 720 : index
    %swap3A_92 = tpu.vector_load %arg7[%swap3A_91] {strides = array<i32>} : memref<1024xf32, #tpu.memory_space<vmem>>, vector<16xf32>,
    tpu.vector_store %arg7[%swap3A_91], %broadcast_in_dim3A_1 {strides = array<i32>} : memref<1024xf32, #tpu.memory_space<vmem>>, vector<16xf32>,
    %swap3A_93 = arith.constant 736 : index
    %swap3A_94 = tpu.vector_load %arg7[%swap3A_93] {strides = array<i32>} : memref<1024xf32, #tpu.memory_space<vmem>>, vector<16xf32>,
    tpu.vector_store %arg7[%swap3A_93], %broadcast_in_dim3A_1 {strides = array<i32>} : memref<1024xf32, #tpu.memory_space<vmem>>, vector<16xf32>,
    %swap3A_95 = arith.constant 752 : index
    %swap3A_96 = tpu.vector_load %arg7[%swap3A_95] {strides = array<i32>} : memref<1024xf32, #tpu.memory_space<vmem>>, vector<16xf32>,
    tpu.vector_store %arg7[%swap3A_95], %broadcast_in_dim3A_1 {strides = array<i32>} : memref<1024xf32, #tpu.memory_space<vmem>>, vector<16xf32>,
    %swap3A_97 = arith.constant 768 : index
    %swap3A_98 = tpu.vector_load %arg7[%swap3A_97] {strides = array<i32>} : memref<1024xf32, #tpu.memory_space<vmem>>, vector<16xf32>,
    tpu.vector_store %arg7[%swap3A_97], %broadcast_in_dim3A_1 {strides = array<i32>} : memref<1024xf32, #tpu.memory_space<vmem>>, vector<16xf32>,
    %swap3A_99 = arith.constant 784 : index
    %swap3A_100 = tpu.vector_load %arg7[%swap3A_99] {strides = array<i32>} : memref<1024xf32, #tpu.memory_space<vmem>>, vector<16xf32>,
    tpu.vector_store %arg7[%swap3A_99], %broadcast_in_dim3A_1 {strides = array<i32>} : memref<1024xf32, #tpu.memory_space<vmem>>, vector<16xf32>,
    %swap3A_101 = arith.constant 800 : index
    %swap3A_102 = tpu.vector_load %arg7[%swap3A_101] {strides = array<i32>} : memref<1024xf32, #tpu.memory_space<vmem>>, vector<16xf32>,
    tpu.vector_store %arg7[%swap3A_101], %broadcast_in_dim3A_1 {strides = array<i32>} : memref<1024xf32, #tpu.memory_space<vmem>>, vector<16xf32>,
    %swap3A_103 = arith.constant 816 : index
    %swap3A_104 = tpu.vector_load %arg7[%swap3A_103] {strides = array<i32>} : memref<1024xf32, #tpu.memory_space<vmem>>, vector<16xf32>,
    tpu.vector_store %arg7[%swap3A_103], %broadcast_in_dim3A_1 {strides = array<i32>} : memref<1024xf32, #tpu.memory_space<vmem>>, vector<16xf32>,
    %swap3A_105 = arith.constant 832 : index
    %swap3A_106 = tpu.vector_load %arg7[%swap3A_105] {strides = array<i32>} : memref<1024xf32, #tpu.memory_space<vmem>>, vector<16xf32>,
    tpu.vector_store %arg7[%swap3A_105], %broadcast_in_dim3A_1 {strides = array<i32>} : memref<1024xf32, #tpu.memory_space<vmem>>, vector<16xf32>,
    %swap3A_107 = arith.constant 848 : index
    %swap3A_108 = tpu.vector_load %arg7[%swap3A_107] {strides = array<i32>} : memref<1024xf32, #tpu.memory_space<vmem>>, vector<16xf32>,
    tpu.vector_store %arg7[%swap3A_107], %broadcast_in_dim3A_1 {strides = array<i32>} : memref<1024xf32, #tpu.memory_space<vmem>>, vector<16xf32>,
    %swap3A_109 = arith.constant 864 : index
    %swap3A_110 = tpu.vector_load %arg7[%swap3A_109] {strides = array<i32>} : memref<1024xf32, #tpu.memory_space<vmem>>, vector<16xf32>,
    tpu.vector_store %arg7[%swap3A_109], %broadcast_in_dim3A_1 {strides = array<i32>} : memref<1024xf32, #tpu.memory_space<vmem>>, vector<16xf32>,
    %swap3A_111 = arith.constant 880 : index
    %swap3A_112 = tpu.vector_load %arg7[%swap3A_111] {strides = array<i32>} : memref<1024xf32, #tpu.memory_space<vmem>>, vector<16xf32>,
    tpu.vector_store %arg7[%swap3A_111], %broadcast_in_dim3A_1 {strides = array<i32>} : memref<1024xf32, #tpu.memory_space<vmem>>, vector<16xf32>,
    %swap3A_113 = arith.constant 896 : index
    %swap3A_114 = tpu.vector_load %arg7[%swap3A_113] {strides = array<i32>} : memref<1024xf32, #tpu.memory_space<vmem>>, vector<16xf32>,
    tpu.vector_store %arg7[%swap3A_113], %broadcast_in_dim3A_1 {strides = array<i32>} : memref<1024xf32, #tpu.memory_space<vmem>>, vector<16xf32>,
    %swap3A_115 = arith.constant 912 : index
    %swap3A_116 = tpu.vector_load %arg7[%swap3A_115] {strides = array<i32>} : memref<1024xf32, #tpu.memory_space<vmem>>, vector<16xf32>,
    tpu.vector_store %arg7[%swap3A_115], %broadcast_in_dim3A_1 {strides = array<i32>} : memref<1024xf32, #tpu.memory_space<vmem>>, vector<16xf32>,
    %swap3A_117 = arith.constant 928 : index
    %swap3A_118 = tpu.vector_load %arg7[%swap3A_117] {strides = array<i32>} : memref<1024xf32, #tpu.memory_space<vmem>>, vector<16xf32>,
    tpu.vector_store %arg7[%swap3A_117], %broadcast_in_dim3A_1 {strides = array<i32>} : memref<1024xf32, #tpu.memory_space<vmem>>, vector<16xf32>,
    %swap3A_119 = arith.constant 944 : index
    %swap3A_120 = tpu.vector_load %arg7[%swap3A_119] {strides = array<i32>} : memref<1024xf32, #tpu.memory_space<vmem>>, vector<16xf32>,
    tpu.vector_store %arg7[%swap3A_119], %broadcast_in_dim3A_1 {strides = array<i32>} : memref<1024xf32, #tpu.memory_space<vmem>>, vector<16xf32>,
    %swap3A_121 = arith.constant 960 : index
    %swap3A_122 = tpu.vector_load %arg7[%swap3A_121] {strides = array<i32>} : memref<1024xf32, #tpu.memory_space<vmem>>, vector<16xf32>,
    tpu.vector_store %arg7[%swap3A_121], %broadcast_in_dim3A_1 {strides = array<i32>} : memref<1024xf32, #tpu.memory_space<vmem>>, vector<16xf32>,
    %swap3A_123 = arith.constant 976 : index
    %swap3A_124 = tpu.vector_load %arg7[%swap3A_123] {strides = array<i32>} : memref<1024xf32, #tpu.memory_space<vmem>>, vector<16xf32>,
    tpu.vector_store %arg7[%swap3A_123], %broadcast_in_dim3A_1 {strides = array<i32>} : memref<1024xf32, #tpu.memory_space<vmem>>, vector<16xf32>,
    %swap3A_125 = arith.constant 992 : index
    %swap3A_126 = tpu.vector_load %arg7[%swap3A_125] {strides = array<i32>} : memref<1024xf32, #tpu.memory_space<vmem>>, vector<16xf32>,
    tpu.vector_store %arg7[%swap3A_125], %broadcast_in_dim3A_1 {strides = array<i32>} : memref<1024xf32, #tpu.memory_space<vmem>>, vector<16xf32>,
    %swap3A_127 = arith.constant 1008 : index
    %swap3A_128 = tpu.vector_load %arg7[%swap3A_127] {strides = array<i32>} : memref<1024xf32, #tpu.memory_space<vmem>>, vector<16xf32>,
    tpu.vector_store %arg7[%swap3A_127], %broadcast_in_dim3A_1 {strides = array<i32>} : memref<1024xf32, #tpu.memory_space<vmem>>, vector<16xf32>,
    "tpu.region"() ({
      %run_scoped3A = tpu.sem_alloc : memref<!tpu.dma_semaphore, #tpu.memory_space<semaphore_mem>>
      %dma_start3A = tpu.memref_slice %arg3[%mul3A_0] : memref<16384xi32, #tpu.memory_space<hbm>> -> memref<1024xi32, #tpu.memory_space<hbm>>
      %dma_start3A_978 = tpu.memref_slice %arg3[%mul3A_0] : memref<16384xi32, #tpu.memory_space<hbm>> -> memref<1024xi32, #tpu.memory_space<hbm>>
      tpu.enqueue_dma source(%dma_start3A_978 : memref<1024xi32, #tpu.memory_space<hbm>>) target(%arg5 : memref<1024xi32, #tpu.memory_space<vmem>>) target_semaphore(%run_scoped3A : memref<!tpu.dma_semaphore, #tpu.memory_space<semaphore_mem>>)
      %dma_wait3A = tpu.memref_slice %arg3[%mul3A_0] : memref<16384xi32, #tpu.memory_space<hbm>> -> memref<1024xi32, #tpu.memory_space<hbm>>
      %dma_wait3A_979 = tpu.memref_slice %arg3[%mul3A_0] : memref<16384xi32, #tpu.memory_space<hbm>> -> memref<1024xi32, #tpu.memory_space<hbm>>
      tpu.wait_dma2 semaphore(%run_scoped3A : memref<!tpu.dma_semaphore, #tpu.memory_space<semaphore_mem>>) src(%dma_wait3A_979 : memref<1024xi32, #tpu.memory_space<hbm>>) dst(%arg5 : memref<1024xi32, #tpu.memory_space<vmem>>)
      tpu.yield
    }) : () -> ()
    %eq3A = arith.constant 0 : i32
    %eq3A_129 = arith.cmpi eq, %arg0, %eq3A : i32
    %convert_element_type3A = arith.extui %eq3A_129 : i1 to i32
    %cond3A = arith.constant 0 : i32
    %cond3A_130 = arith.cmpi ne, %convert_element_type3A, %cond3A : i32
    scf.if %cond3A_130 {
      "tpu.region"() ({
        %run_scoped3A = tpu.sem_alloc : memref<!tpu.dma_semaphore, #tpu.memory_space<semaphore_mem>>
        %dma_start3A = tpu.memref_slice %arg2[%mul3A_0] : memref<16384xf32, #tpu.memory_space<hbm>> -> memref<1024xf32, #tpu.memory_space<hbm>>
        %dma_start3A_978 = tpu.memref_slice %arg2[%mul3A_0] : memref<16384xf32, #tpu.memory_space<hbm>> -> memref<1024xf32, #tpu.memory_space<hbm>>
        tpu.enqueue_dma source(%dma_start3A_978 : memref<1024xf32, #tpu.memory_space<hbm>>) target(%arg6 : memref<1024xf32, #tpu.memory_space<vmem>>) target_semaphore(%run_scoped3A : memref<!tpu.dma_semaphore, #tpu.memory_space<semaphore_mem>>)
        %dma_wait3A = tpu.memref_slice %arg2[%mul3A_0] : memref<16384xf32, #tpu.memory_space<hbm>> -> memref<1024xf32, #tpu.memory_space<hbm>>
        %dma_wait3A_979 = tpu.memref_slice %arg2[%mul3A_0] : memref<16384xf32, #tpu.memory_space<hbm>> -> memref<1024xf32, #tpu.memory_space<hbm>>
        tpu.wait_dma2 semaphore(%run_scoped3A : memref<!tpu.dma_semaphore, #tpu.memory_space<semaphore_mem>>) src(%dma_wait3A_979 : memref<1024xf32, #tpu.memory_space<hbm>>) dst(%arg6 : memref<1024xf32, #tpu.memory_space<vmem>>)
        tpu.yield
      }) : () -> ()
    } else {
    }
    %ne3A = arith.constant 0 : i32
    %ne3A_131 = arith.cmpi ne, %arg0, %ne3A : i32
    %convert_element_type3A_132 = arith.extui %ne3A_131 : i1 to i32
    %cond3A_133 = arith.constant 0 : i32
    %cond3A_134 = arith.cmpi ne, %convert_element_type3A_132, %cond3A_133 : i32
    scf.if %cond3A_134 {
      %broadcast_in_dim3A_978 = arith.constant 1.000000e+00 : f32
      %broadcast_in_dim3A_979 = vector.broadcast %broadcast_in_dim3A_978 : f32 to vector<16xf32>
      %swap3A_980 = arith.constant 0 : index
      %swap3A_981 = tpu.vector_load %arg6[%swap3A_980] {strides = array<i32>} : memref<1024xf32, #tpu.memory_space<vmem>>, vector<16xf32>,
      tpu.vector_store %arg6[%swap3A_980], %broadcast_in_dim3A_979 {strides = array<i32>} : memref<1024xf32, #tpu.memory_space<vmem>>, vector<16xf32>,
      %swap3A_982 = arith.constant 16 : index
      %swap3A_983 = tpu.vector_load %arg6[%swap3A_982] {strides = array<i32>} : memref<1024xf32, #tpu.memory_space<vmem>>, vector<16xf32>,
      tpu.vector_store %arg6[%swap3A_982], %broadcast_in_dim3A_979 {strides = array<i32>} : memref<1024xf32, #tpu.memory_space<vmem>>, vector<16xf32>,
      %swap3A_984 = arith.constant 32 : index
      %swap3A_985 = tpu.vector_load %arg6[%swap3A_984] {strides = array<i32>} : memref<1024xf32, #tpu.memory_space<vmem>>, vector<16xf32>,
      tpu.vector_store %arg6[%swap3A_984], %broadcast_in_dim3A_979 {strides = array<i32>} : memref<1024xf32, #tpu.memory_space<vmem>>, vector<16xf32>,
      %swap3A_986 = arith.constant 48 : index
      %swap3A_987 = tpu.vector_load %arg6[%swap3A_986] {strides = array<i32>} : memref<1024xf32, #tpu.memory_space<vmem>>, vector<16xf32>,
      tpu.vector_store %arg6[%swap3A_986], %broadcast_in_dim3A_979 {strides = array<i32>} : memref<1024xf32, #tpu.memory_space<vmem>>, vector<16xf32>,
      %swap3A_988 = arith.constant 64 : index
      %swap3A_989 = tpu.vector_load %arg6[%swap3A_988] {strides = array<i32>} : memref<1024xf32, #tpu.memory_space<vmem>>, vector<16xf32>,
      tpu.vector_store %arg6[%swap3A_988], %broadcast_in_dim3A_979 {strides = array<i32>} : memref<1024xf32, #tpu.memory_space<vmem>>, vector<16xf32>,
      %swap3A_990 = arith.constant 80 : index
      %swap3A_991 = tpu.vector_load %arg6[%swap3A_990] {strides = array<i32>} : memref<1024xf32, #tpu.memory_space<vmem>>, vector<16xf32>,
      tpu.vector_store %arg6[%swap3A_990], %broadcast_in_dim3A_979 {strides = array<i32>} : memref<1024xf32, #tpu.memory_space<vmem>>, vector<16xf32>,
      %swap3A_992 = arith.constant 96 : index
      %swap3A_993 = tpu.vector_load %arg6[%swap3A_992] {strides = array<i32>} : memref<1024xf32, #tpu.memory_space<vmem>>, vector<16xf32>,
      tpu.vector_store %arg6[%swap3A_992], %broadcast_in_dim3A_979 {strides = array<i32>} : memref<1024xf32, #tpu.memory_space<vmem>>, vector<16xf32>,
      %swap3A_994 = arith.constant 112 : index
      %swap3A_995 = tpu.vector_load %arg6[%swap3A_994] {strides = array<i32>} : memref<1024xf32, #tpu.memory_space<vmem>>, vector<16xf32>,
      tpu.vector_store %arg6[%swap3A_994], %broadcast_in_dim3A_979 {strides = array<i32>} : memref<1024xf32, #tpu.memory_space<vmem>>, vector<16xf32>,
      %swap3A_996 = arith.constant 128 : index
      %swap3A_997 = tpu.vector_load %arg6[%swap3A_996] {strides = array<i32>} : memref<1024xf32, #tpu.memory_space<vmem>>, vector<16xf32>,
      tpu.vector_store %arg6[%swap3A_996], %broadcast_in_dim3A_979 {strides = array<i32>} : memref<1024xf32, #tpu.memory_space<vmem>>, vector<16xf32>,
      %swap3A_998 = arith.constant 144 : index
      %swap3A_999 = tpu.vector_load %arg6[%swap3A_998] {strides = array<i32>} : memref<1024xf32, #tpu.memory_space<vmem>>, vector<16xf32>,
      tpu.vector_store %arg6[%swap3A_998], %broadcast_in_dim3A_979 {strides = array<i32>} : memref<1024xf32, #tpu.memory_space<vmem>>, vector<16xf32>,
      %swap3A_1000 = arith.constant 160 : index
      %swap3A_1001 = tpu.vector_load %arg6[%swap3A_1000] {strides = array<i32>} : memref<1024xf32, #tpu.memory_space<vmem>>, vector<16xf32>,
      tpu.vector_store %arg6[%swap3A_1000], %broadcast_in_dim3A_979 {strides = array<i32>} : memref<1024xf32, #tpu.memory_space<vmem>>, vector<16xf32>,
      %swap3A_1002 = arith.constant 176 : index
      %swap3A_1003 = tpu.vector_load %arg6[%swap3A_1002] {strides = array<i32>} : memref<1024xf32, #tpu.memory_space<vmem>>, vector<16xf32>,
      tpu.vector_store %arg6[%swap3A_1002], %broadcast_in_dim3A_979 {strides = array<i32>} : memref<1024xf32, #tpu.memory_space<vmem>>, vector<16xf32>,
      %swap3A_1004 = arith.constant 192 : index
      %swap3A_1005 = tpu.vector_load %arg6[%swap3A_1004] {strides = array<i32>} : memref<1024xf32, #tpu.memory_space<vmem>>, vector<16xf32>,
      tpu.vector_store %arg6[%swap3A_1004], %broadcast_in_dim3A_979 {strides = array<i32>} : memref<1024xf32, #tpu.memory_space<vmem>>, vector<16xf32>,
      %swap3A_1006 = arith.constant 208 : index
      %swap3A_1007 = tpu.vector_load %arg6[%swap3A_1006] {strides = array<i32>} : memref<1024xf32, #tpu.memory_space<vmem>>, vector<16xf32>,
      tpu.vector_store %arg6[%swap3A_1006], %broadcast_in_dim3A_979 {strides = array<i32>} : memref<1024xf32, #tpu.memory_space<vmem>>, vector<16xf32>,
      %swap3A_1008 = arith.constant 224 : index
      %swap3A_1009 = tpu.vector_load %arg6[%swap3A_1008] {strides = array<i32>} : memref<1024xf32, #tpu.memory_space<vmem>>, vector<16xf32>,
      tpu.vector_store %arg6[%swap3A_1008], %broadcast_in_dim3A_979 {strides = array<i32>} : memref<1024xf32, #tpu.memory_space<vmem>>, vector<16xf32>,
      %swap3A_1010 = arith.constant 240 : index
      %swap3A_1011 = tpu.vector_load %arg6[%swap3A_1010] {strides = array<i32>} : memref<1024xf32, #tpu.memory_space<vmem>>, vector<16xf32>,
      tpu.vector_store %arg6[%swap3A_1010], %broadcast_in_dim3A_979 {strides = array<i32>} : memref<1024xf32, #tpu.memory_space<vmem>>, vector<16xf32>,
      %swap3A_1012 = arith.constant 256 : index
      %swap3A_1013 = tpu.vector_load %arg6[%swap3A_1012] {strides = array<i32>} : memref<1024xf32, #tpu.memory_space<vmem>>, vector<16xf32>,
      tpu.vector_store %arg6[%swap3A_1012], %broadcast_in_dim3A_979 {strides = array<i32>} : memref<1024xf32, #tpu.memory_space<vmem>>, vector<16xf32>,
      %swap3A_1014 = arith.constant 272 : index
      %swap3A_1015 = tpu.vector_load %arg6[%swap3A_1014] {strides = array<i32>} : memref<1024xf32, #tpu.memory_space<vmem>>, vector<16xf32>,
      tpu.vector_store %arg6[%swap3A_1014], %broadcast_in_dim3A_979 {strides = array<i32>} : memref<1024xf32, #tpu.memory_space<vmem>>, vector<16xf32>,
      %swap3A_1016 = arith.constant 288 : index
      %swap3A_1017 = tpu.vector_load %arg6[%swap3A_1016] {strides = array<i32>} : memref<1024xf32, #tpu.memory_space<vmem>>, vector<16xf32>,
      tpu.vector_store %arg6[%swap3A_1016], %broadcast_in_dim3A_979 {strides = array<i32>} : memref<1024xf32, #tpu.memory_space<vmem>>, vector<16xf32>,
      %swap3A_1018 = arith.constant 304 : index
      %swap3A_1019 = tpu.vector_load %arg6[%swap3A_1018] {strides = array<i32>} : memref<1024xf32, #tpu.memory_space<vmem>>, vector<16xf32>,
      tpu.vector_store %arg6[%swap3A_1018], %broadcast_in_dim3A_979 {strides = array<i32>} : memref<1024xf32, #tpu.memory_space<vmem>>, vector<16xf32>,
      %swap3A_1020 = arith.constant 320 : index
      %swap3A_1021 = tpu.vector_load %arg6[%swap3A_1020] {strides = array<i32>} : memref<1024xf32, #tpu.memory_space<vmem>>, vector<16xf32>,
      tpu.vector_store %arg6[%swap3A_1020], %broadcast_in_dim3A_979 {strides = array<i32>} : memref<1024xf32, #tpu.memory_space<vmem>>, vector<16xf32>,
      %swap3A_1022 = arith.constant 336 : index
      %swap3A_1023 = tpu.vector_load %arg6[%swap3A_1022] {strides = array<i32>} : memref<1024xf32, #tpu.memory_space<vmem>>, vector<16xf32>,
      tpu.vector_store %arg6[%swap3A_1022], %broadcast_in_dim3A_979 {strides = array<i32>} : memref<1024xf32, #tpu.memory_space<vmem>>, vector<16xf32>,
      %swap3A_1024 = arith.constant 352 : index
      %swap3A_1025 = tpu.vector_load %arg6[%swap3A_1024] {strides = array<i32>} : memref<1024xf32, #tpu.memory_space<vmem>>, vector<16xf32>,
      tpu.vector_store %arg6[%swap3A_1024], %broadcast_in_dim3A_979 {strides = array<i32>} : memref<1024xf32, #tpu.memory_space<vmem>>, vector<16xf32>,
      %swap3A_1026 = arith.constant 368 : index
      %swap3A_1027 = tpu.vector_load %arg6[%swap3A_1026] {strides = array<i32>} : memref<1024xf32, #tpu.memory_space<vmem>>, vector<16xf32>,
      tpu.vector_store %arg6[%swap3A_1026], %broadcast_in_dim3A_979 {strides = array<i32>} : memref<1024xf32, #tpu.memory_space<vmem>>, vector<16xf32>,
      %swap3A_1028 = arith.constant 384 : index
      %swap3A_1029 = tpu.vector_load %arg6[%swap3A_1028] {strides = array<i32>} : memref<1024xf32, #tpu.memory_space<vmem>>, vector<16xf32>,
      tpu.vector_store %arg6[%swap3A_1028], %broadcast_in_dim3A_979 {strides = array<i32>} : memref<1024xf32, #tpu.memory_space<vmem>>, vector<16xf32>,
      %swap3A_1030 = arith.constant 400 : index
      %swap3A_1031 = tpu.vector_load %arg6[%swap3A_1030] {strides = array<i32>} : memref<1024xf32, #tpu.memory_space<vmem>>, vector<16xf32>,
      tpu.vector_store %arg6[%swap3A_1030], %broadcast_in_dim3A_979 {strides = array<i32>} : memref<1024xf32, #tpu.memory_space<vmem>>, vector<16xf32>,
      %swap3A_1032 = arith.constant 416 : index
      %swap3A_1033 = tpu.vector_load %arg6[%swap3A_1032] {strides = array<i32>} : memref<1024xf32, #tpu.memory_space<vmem>>, vector<16xf32>,
      tpu.vector_store %arg6[%swap3A_1032], %broadcast_in_dim3A_979 {strides = array<i32>} : memref<1024xf32, #tpu.memory_space<vmem>>, vector<16xf32>,
      %swap3A_1034 = arith.constant 432 : index
      %swap3A_1035 = tpu.vector_load %arg6[%swap3A_1034] {strides = array<i32>} : memref<1024xf32, #tpu.memory_space<vmem>>, vector<16xf32>,
      tpu.vector_store %arg6[%swap3A_1034], %broadcast_in_dim3A_979 {strides = array<i32>} : memref<1024xf32, #tpu.memory_space<vmem>>, vector<16xf32>,
      %swap3A_1036 = arith.constant 448 : index
      %swap3A_1037 = tpu.vector_load %arg6[%swap3A_1036] {strides = array<i32>} : memref<1024xf32, #tpu.memory_space<vmem>>, vector<16xf32>,
      tpu.vector_store %arg6[%swap3A_1036], %broadcast_in_dim3A_979 {strides = array<i32>} : memref<1024xf32, #tpu.memory_space<vmem>>, vector<16xf32>,
      %swap3A_1038 = arith.constant 464 : index
      %swap3A_1039 = tpu.vector_load %arg6[%swap3A_1038] {strides = array<i32>} : memref<1024xf32, #tpu.memory_space<vmem>>, vector<16xf32>,
      tpu.vector_store %arg6[%swap3A_1038], %broadcast_in_dim3A_979 {strides = array<i32>} : memref<1024xf32, #tpu.memory_space<vmem>>, vector<16xf32>,
      %swap3A_1040 = arith.constant 480 : index
      %swap3A_1041 = tpu.vector_load %arg6[%swap3A_1040] {strides = array<i32>} : memref<1024xf32, #tpu.memory_space<vmem>>, vector<16xf32>,
      tpu.vector_store %arg6[%swap3A_1040], %broadcast_in_dim3A_979 {strides = array<i32>} : memref<1024xf32, #tpu.memory_space<vmem>>, vector<16xf32>,
      %swap3A_1042 = arith.constant 496 : index
      %swap3A_1043 = tpu.vector_load %arg6[%swap3A_1042] {strides = array<i32>} : memref<1024xf32, #tpu.memory_space<vmem>>, vector<16xf32>,
      tpu.vector_store %arg6[%swap3A_1042], %broadcast_in_dim3A_979 {strides = array<i32>} : memref<1024xf32, #tpu.memory_space<vmem>>, vector<16xf32>,
      %swap3A_1044 = arith.constant 512 : index
      %swap3A_1045 = tpu.vector_load %arg6[%swap3A_1044] {strides = array<i32>} : memref<1024xf32, #tpu.memory_space<vmem>>, vector<16xf32>,
      tpu.vector_store %arg6[%swap3A_1044], %broadcast_in_dim3A_979 {strides = array<i32>} : memref<1024xf32, #tpu.memory_space<vmem>>, vector<16xf32>,
      %swap3A_1046 = arith.constant 528 : index
      %swap3A_1047 = tpu.vector_load %arg6[%swap3A_1046] {strides = array<i32>} : memref<1024xf32, #tpu.memory_space<vmem>>, vector<16xf32>,
      tpu.vector_store %arg6[%swap3A_1046], %broadcast_in_dim3A_979 {strides = array<i32>} : memref<1024xf32, #tpu.memory_space<vmem>>, vector<16xf32>,
      %swap3A_1048 = arith.constant 544 : index
      %swap3A_1049 = tpu.vector_load %arg6[%swap3A_1048] {strides = array<i32>} : memref<1024xf32, #tpu.memory_space<vmem>>, vector<16xf32>,
      tpu.vector_store %arg6[%swap3A_1048], %broadcast_in_dim3A_979 {strides = array<i32>} : memref<1024xf32, #tpu.memory_space<vmem>>, vector<16xf32>,
      %swap3A_1050 = arith.constant 560 : index
      %swap3A_1051 = tpu.vector_load %arg6[%swap3A_1050] {strides = array<i32>} : memref<1024xf32, #tpu.memory_space<vmem>>, vector<16xf32>,
      tpu.vector_store %arg6[%swap3A_1050], %broadcast_in_dim3A_979 {strides = array<i32>} : memref<1024xf32, #tpu.memory_space<vmem>>, vector<16xf32>,
      %swap3A_1052 = arith.constant 576 : index
      %swap3A_1053 = tpu.vector_load %arg6[%swap3A_1052] {strides = array<i32>} : memref<1024xf32, #tpu.memory_space<vmem>>, vector<16xf32>,
      tpu.vector_store %arg6[%swap3A_1052], %broadcast_in_dim3A_979 {strides = array<i32>} : memref<1024xf32, #tpu.memory_space<vmem>>, vector<16xf32>,
      %swap3A_1054 = arith.constant 592 : index
      %swap3A_1055 = tpu.vector_load %arg6[%swap3A_1054] {strides = array<i32>} : memref<1024xf32, #tpu.memory_space<vmem>>, vector<16xf32>,
      tpu.vector_store %arg6[%swap3A_1054], %broadcast_in_dim3A_979 {strides = array<i32>} : memref<1024xf32, #tpu.memory_space<vmem>>, vector<16xf32>,
      %swap3A_1056 = arith.constant 608 : index
      %swap3A_1057 = tpu.vector_load %arg6[%swap3A_1056] {strides = array<i32>} : memref<1024xf32, #tpu.memory_space<vmem>>, vector<16xf32>,
      tpu.vector_store %arg6[%swap3A_1056], %broadcast_in_dim3A_979 {strides = array<i32>} : memref<1024xf32, #tpu.memory_space<vmem>>, vector<16xf32>,
      %swap3A_1058 = arith.constant 624 : index
      %swap3A_1059 = tpu.vector_load %arg6[%swap3A_1058] {strides = array<i32>} : memref<1024xf32, #tpu.memory_space<vmem>>, vector<16xf32>,
      tpu.vector_store %arg6[%swap3A_1058], %broadcast_in_dim3A_979 {strides = array<i32>} : memref<1024xf32, #tpu.memory_space<vmem>>, vector<16xf32>,
      %swap3A_1060 = arith.constant 640 : index
      %swap3A_1061 = tpu.vector_load %arg6[%swap3A_1060] {strides = array<i32>} : memref<1024xf32, #tpu.memory_space<vmem>>, vector<16xf32>,
      tpu.vector_store %arg6[%swap3A_1060], %broadcast_in_dim3A_979 {strides = array<i32>} : memref<1024xf32, #tpu.memory_space<vmem>>, vector<16xf32>,
      %swap3A_1062 = arith.constant 656 : index
      %swap3A_1063 = tpu.vector_load %arg6[%swap3A_1062] {strides = array<i32>} : memref<1024xf32, #tpu.memory_space<vmem>>, vector<16xf32>,
      tpu.vector_store %arg6[%swap3A_1062], %broadcast_in_dim3A_979 {strides = array<i32>} : memref<1024xf32, #tpu.memory_space<vmem>>, vector<16xf32>,
      %swap3A_1064 = arith.constant 672 : index
      %swap3A_1065 = tpu.vector_load %arg6[%swap3A_1064] {strides = array<i32>} : memref<1024xf32, #tpu.memory_space<vmem>>, vector<16xf32>,
      tpu.vector_store %arg6[%swap3A_1064], %broadcast_in_dim3A_979 {strides = array<i32>} : memref<1024xf32, #tpu.memory_space<vmem>>, vector<16xf32>,
      %swap3A_1066 = arith.constant 688 : index
      %swap3A_1067 = tpu.vector_load %arg6[%swap3A_1066] {strides = array<i32>} : memref<1024xf32, #tpu.memory_space<vmem>>, vector<16xf32>,
      tpu.vector_store %arg6[%swap3A_1066], %broadcast_in_dim3A_979 {strides = array<i32>} : memref<1024xf32, #tpu.memory_space<vmem>>, vector<16xf32>,
      %swap3A_1068 = arith.constant 704 : index
      %swap3A_1069 = tpu.vector_load %arg6[%swap3A_1068] {strides = array<i32>} : memref<1024xf32, #tpu.memory_space<vmem>>, vector<16xf32>,
      tpu.vector_store %arg6[%swap3A_1068], %broadcast_in_dim3A_979 {strides = array<i32>} : memref<1024xf32, #tpu.memory_space<vmem>>, vector<16xf32>,
      %swap3A_1070 = arith.constant 720 : index
      %swap3A_1071 = tpu.vector_load %arg6[%swap3A_1070] {strides = array<i32>} : memref<1024xf32, #tpu.memory_space<vmem>>, vector<16xf32>,
      tpu.vector_store %arg6[%swap3A_1070], %broadcast_in_dim3A_979 {strides = array<i32>} : memref<1024xf32, #tpu.memory_space<vmem>>, vector<16xf32>,
      %swap3A_1072 = arith.constant 736 : index
      %swap3A_1073 = tpu.vector_load %arg6[%swap3A_1072] {strides = array<i32>} : memref<1024xf32, #tpu.memory_space<vmem>>, vector<16xf32>,
      tpu.vector_store %arg6[%swap3A_1072], %broadcast_in_dim3A_979 {strides = array<i32>} : memref<1024xf32, #tpu.memory_space<vmem>>, vector<16xf32>,
      %swap3A_1074 = arith.constant 752 : index
      %swap3A_1075 = tpu.vector_load %arg6[%swap3A_1074] {strides = array<i32>} : memref<1024xf32, #tpu.memory_space<vmem>>, vector<16xf32>,
      tpu.vector_store %arg6[%swap3A_1074], %broadcast_in_dim3A_979 {strides = array<i32>} : memref<1024xf32, #tpu.memory_space<vmem>>, vector<16xf32>,
      %swap3A_1076 = arith.constant 768 : index
      %swap3A_1077 = tpu.vector_load %arg6[%swap3A_1076] {strides = array<i32>} : memref<1024xf32, #tpu.memory_space<vmem>>, vector<16xf32>,
      tpu.vector_store %arg6[%swap3A_1076], %broadcast_in_dim3A_979 {strides = array<i32>} : memref<1024xf32, #tpu.memory_space<vmem>>, vector<16xf32>,
      %swap3A_1078 = arith.constant 784 : index
      %swap3A_1079 = tpu.vector_load %arg6[%swap3A_1078] {strides = array<i32>} : memref<1024xf32, #tpu.memory_space<vmem>>, vector<16xf32>,
      tpu.vector_store %arg6[%swap3A_1078], %broadcast_in_dim3A_979 {strides = array<i32>} : memref<1024xf32, #tpu.memory_space<vmem>>, vector<16xf32>,
      %swap3A_1080 = arith.constant 800 : index
      %swap3A_1081 = tpu.vector_load %arg6[%swap3A_1080] {strides = array<i32>} : memref<1024xf32, #tpu.memory_space<vmem>>, vector<16xf32>,
      tpu.vector_store %arg6[%swap3A_1080], %broadcast_in_dim3A_979 {strides = array<i32>} : memref<1024xf32, #tpu.memory_space<vmem>>, vector<16xf32>,
      %swap3A_1082 = arith.constant 816 : index
      %swap3A_1083 = tpu.vector_load %arg6[%swap3A_1082] {strides = array<i32>} : memref<1024xf32, #tpu.memory_space<vmem>>, vector<16xf32>,
      tpu.vector_store %arg6[%swap3A_1082], %broadcast_in_dim3A_979 {strides = array<i32>} : memref<1024xf32, #tpu.memory_space<vmem>>, vector<16xf32>,
      %swap3A_1084 = arith.constant 832 : index
      %swap3A_1085 = tpu.vector_load %arg6[%swap3A_1084] {strides = array<i32>} : memref<1024xf32, #tpu.memory_space<vmem>>, vector<16xf32>,
      tpu.vector_store %arg6[%swap3A_1084], %broadcast_in_dim3A_979 {strides = array<i32>} : memref<1024xf32, #tpu.memory_space<vmem>>, vector<16xf32>,
      %swap3A_1086 = arith.constant 848 : index
      %swap3A_1087 = tpu.vector_load %arg6[%swap3A_1086] {strides = array<i32>} : memref<1024xf32, #tpu.memory_space<vmem>>, vector<16xf32>,
      tpu.vector_store %arg6[%swap3A_1086], %broadcast_in_dim3A_979 {strides = array<i32>} : memref<1024xf32, #tpu.memory_space<vmem>>, vector<16xf32>,
      %swap3A_1088 = arith.constant 864 : index
      %swap3A_1089 = tpu.vector_load %arg6[%swap3A_1088] {strides = array<i32>} : memref<1024xf32, #tpu.memory_space<vmem>>, vector<16xf32>,
      tpu.vector_store %arg6[%swap3A_1088], %broadcast_in_dim3A_979 {strides = array<i32>} : memref<1024xf32, #tpu.memory_space<vmem>>, vector<16xf32>,
      %swap3A_1090 = arith.constant 880 : index
      %swap3A_1091 = tpu.vector_load %arg6[%swap3A_1090] {strides = array<i32>} : memref<1024xf32, #tpu.memory_space<vmem>>, vector<16xf32>,
      tpu.vector_store %arg6[%swap3A_1090], %broadcast_in_dim3A_979 {strides = array<i32>} : memref<1024xf32, #tpu.memory_space<vmem>>, vector<16xf32>,
      %swap3A_1092 = arith.constant 896 : index
      %swap3A_1093 = tpu.vector_load %arg6[%swap3A_1092] {strides = array<i32>} : memref<1024xf32, #tpu.memory_space<vmem>>, vector<16xf32>,
      tpu.vector_store %arg6[%swap3A_1092], %broadcast_in_dim3A_979 {strides = array<i32>} : memref<1024xf32, #tpu.memory_space<vmem>>, vector<16xf32>,
      %swap3A_1094 = arith.constant 912 : index
      %swap3A_1095 = tpu.vector_load %arg6[%swap3A_1094] {strides = array<i32>} : memref<1024xf32, #tpu.memory_space<vmem>>, vector<16xf32>,
      tpu.vector_store %arg6[%swap3A_1094], %broadcast_in_dim3A_979 {strides = array<i32>} : memref<1024xf32, #tpu.memory_space<vmem>>, vector<16xf32>,
      %swap3A_1096 = arith.constant 928 : index
      %swap3A_1097 = tpu.vector_load %arg6[%swap3A_1096] {strides = array<i32>} : memref<1024xf32, #tpu.memory_space<vmem>>, vector<16xf32>,
      tpu.vector_store %arg6[%swap3A_1096], %broadcast_in_dim3A_979 {strides = array<i32>} : memref<1024xf32, #tpu.memory_space<vmem>>, vector<16xf32>,
      %swap3A_1098 = arith.constant 944 : index
      %swap3A_1099 = tpu.vector_load %arg6[%swap3A_1098] {strides = array<i32>} : memref<1024xf32, #tpu.memory_space<vmem>>, vector<16xf32>,
      tpu.vector_store %arg6[%swap3A_1098], %broadcast_in_dim3A_979 {strides = array<i32>} : memref<1024xf32, #tpu.memory_space<vmem>>, vector<16xf32>,
      %swap3A_1100 = arith.constant 960 : index
      %swap3A_1101 = tpu.vector_load %arg6[%swap3A_1100] {strides = array<i32>} : memref<1024xf32, #tpu.memory_space<vmem>>, vector<16xf32>,
      tpu.vector_store %arg6[%swap3A_1100], %broadcast_in_dim3A_979 {strides = array<i32>} : memref<1024xf32, #tpu.memory_space<vmem>>, vector<16xf32>,
      %swap3A_1102 = arith.constant 976 : index
      %swap3A_1103 = tpu.vector_load %arg6[%swap3A_1102] {strides = array<i32>} : memref<1024xf32, #tpu.memory_space<vmem>>, vector<16xf32>,
      tpu.vector_store %arg6[%swap3A_1102], %broadcast_in_dim3A_979 {strides = array<i32>} : memref<1024xf32, #tpu.memory_space<vmem>>, vector<16xf32>,
      %swap3A_1104 = arith.constant 992 : index
      %swap3A_1105 = tpu.vector_load %arg6[%swap3A_1104] {strides = array<i32>} : memref<1024xf32, #tpu.memory_space<vmem>>, vector<16xf32>,
      tpu.vector_store %arg6[%swap3A_1104], %broadcast_in_dim3A_979 {strides = array<i32>} : memref<1024xf32, #tpu.memory_space<vmem>>, vector<16xf32>,
      %swap3A_1106 = arith.constant 1008 : index
      %swap3A_1107 = tpu.vector_load %arg6[%swap3A_1106] {strides = array<i32>} : memref<1024xf32, #tpu.memory_space<vmem>>, vector<16xf32>,
      tpu.vector_store %arg6[%swap3A_1106], %broadcast_in_dim3A_979 {strides = array<i32>} : memref<1024xf32, #tpu.memory_space<vmem>>, vector<16xf32>,
    } else {
    }
    %get3A = arith.constant 0 : index
    %get3A_135 = tpu.vector_load %arg5[%get3A] {strides = array<i32>} : memref<1024xi32, #tpu.memory_space<vmem>>, vector<16xi32>,
    %get3A_136 = arith.constant 0 : index
    %get3A_137 = tpu.vector_load %arg6[%get3A_136] {strides = array<i32>} : memref<1024xf32, #tpu.memory_space<vmem>>, vector<16xf32>,
    tpu.vector_store_idx %arg7[%get3A_135], %get3A_137 {add = true} : memref<1024xf32, #tpu.memory_space<vmem>>[vector<16xi32>], vector<16xf32>,
    %get3A_138 = arith.constant 16 : index
    %get3A_139 = tpu.vector_load %arg5[%get3A_138] {strides = array<i32>} : memref<1024xi32, #tpu.memory_space<vmem>>, vector<16xi32>,
    %get3A_140 = arith.constant 16 : index
    %get3A_141 = tpu.vector_load %arg6[%get3A_140] {strides = array<i32>} : memref<1024xf32, #tpu.memory_space<vmem>>, vector<16xf32>,
    tpu.vector_store_idx %arg7[%get3A_139], %get3A_141 {add = true} : memref<1024xf32, #tpu.memory_space<vmem>>[vector<16xi32>], vector<16xf32>,
    %get3A_142 = arith.constant 32 : index
    %get3A_143 = tpu.vector_load %arg5[%get3A_142] {strides = array<i32>} : memref<1024xi32, #tpu.memory_space<vmem>>, vector<16xi32>,
    %get3A_144 = arith.constant 32 : index
    %get3A_145 = tpu.vector_load %arg6[%get3A_144] {strides = array<i32>} : memref<1024xf32, #tpu.memory_space<vmem>>, vector<16xf32>,
    tpu.vector_store_idx %arg7[%get3A_143], %get3A_145 {add = true} : memref<1024xf32, #tpu.memory_space<vmem>>[vector<16xi32>], vector<16xf32>,
    %get3A_146 = arith.constant 48 : index
    %get3A_147 = tpu.vector_load %arg5[%get3A_146] {strides = array<i32>} : memref<1024xi32, #tpu.memory_space<vmem>>, vector<16xi32>,
    %get3A_148 = arith.constant 48 : index
    %get3A_149 = tpu.vector_load %arg6[%get3A_148] {strides = array<i32>} : memref<1024xf32, #tpu.memory_space<vmem>>, vector<16xf32>,
    tpu.vector_store_idx %arg7[%get3A_147], %get3A_149 {add = true} : memref<1024xf32, #tpu.memory_space<vmem>>[vector<16xi32>], vector<16xf32>,
    %get3A_150 = arith.constant 64 : index
    %get3A_151 = tpu.vector_load %arg5[%get3A_150] {strides = array<i32>} : memref<1024xi32, #tpu.memory_space<vmem>>, vector<16xi32>,
    %get3A_152 = arith.constant 64 : index
    %get3A_153 = tpu.vector_load %arg6[%get3A_152] {strides = array<i32>} : memref<1024xf32, #tpu.memory_space<vmem>>, vector<16xf32>,
    tpu.vector_store_idx %arg7[%get3A_151], %get3A_153 {add = true} : memref<1024xf32, #tpu.memory_space<vmem>>[vector<16xi32>], vector<16xf32>,
    %get3A_154 = arith.constant 80 : index
    %get3A_155 = tpu.vector_load %arg5[%get3A_154] {strides = array<i32>} : memref<1024xi32, #tpu.memory_space<vmem>>, vector<16xi32>,
    %get3A_156 = arith.constant 80 : index
    %get3A_157 = tpu.vector_load %arg6[%get3A_156] {strides = array<i32>} : memref<1024xf32, #tpu.memory_space<vmem>>, vector<16xf32>,
    tpu.vector_store_idx %arg7[%get3A_155], %get3A_157 {add = true} : memref<1024xf32, #tpu.memory_space<vmem>>[vector<16xi32>], vector<16xf32>,
    %get3A_158 = arith.constant 96 : index
    %get3A_159 = tpu.vector_load %arg5[%get3A_158] {strides = array<i32>} : memref<1024xi32, #tpu.memory_space<vmem>>, vector<16xi32>,
    %get3A_160 = arith.constant 96 : index
    %get3A_161 = tpu.vector_load %arg6[%get3A_160] {strides = array<i32>} : memref<1024xf32, #tpu.memory_space<vmem>>, vector<16xf32>,
    tpu.vector_store_idx %arg7[%get3A_159], %get3A_161 {add = true} : memref<1024xf32, #tpu.memory_space<vmem>>[vector<16xi32>], vector<16xf32>,
    %get3A_162 = arith.constant 112 : index
    %get3A_163 = tpu.vector_load %arg5[%get3A_162] {strides = array<i32>} : memref<1024xi32, #tpu.memory_space<vmem>>, vector<16xi32>,
    %get3A_164 = arith.constant 112 : index
    %get3A_165 = tpu.vector_load %arg6[%get3A_164] {strides = array<i32>} : memref<1024xf32, #tpu.memory_space<vmem>>, vector<16xf32>,
    tpu.vector_store_idx %arg7[%get3A_163], %get3A_165 {add = true} : memref<1024xf32, #tpu.memory_space<vmem>>[vector<16xi32>], vector<16xf32>,
    %get3A_166 = arith.constant 128 : index
    %get3A_167 = tpu.vector_load %arg5[%get3A_166] {strides = array<i32>} : memref<1024xi32, #tpu.memory_space<vmem>>, vector<16xi32>,
    %get3A_168 = arith.constant 128 : index
    %get3A_169 = tpu.vector_load %arg6[%get3A_168] {strides = array<i32>} : memref<1024xf32, #tpu.memory_space<vmem>>, vector<16xf32>,
    tpu.vector_store_idx %arg7[%get3A_167], %get3A_169 {add = true} : memref<1024xf32, #tpu.memory_space<vmem>>[vector<16xi32>], vector<16xf32>,
    %get3A_170 = arith.constant 144 : index
    %get3A_171 = tpu.vector_load %arg5[%get3A_170] {strides = array<i32>} : memref<1024xi32, #tpu.memory_space<vmem>>, vector<16xi32>,
    %get3A_172 = arith.constant 144 : index
    %get3A_173 = tpu.vector_load %arg6[%get3A_172] {strides = array<i32>} : memref<1024xf32, #tpu.memory_space<vmem>>, vector<16xf32>,
    tpu.vector_store_idx %arg7[%get3A_171], %get3A_173 {add = true} : memref<1024xf32, #tpu.memory_space<vmem>>[vector<16xi32>], vector<16xf32>,
    %get3A_174 = arith.constant 160 : index
    %get3A_175 = tpu.vector_load %arg5[%get3A_174] {strides = array<i32>} : memref<1024xi32, #tpu.memory_space<vmem>>, vector<16xi32>,
    %get3A_176 = arith.constant 160 : index
    %get3A_177 = tpu.vector_load %arg6[%get3A_176] {strides = array<i32>} : memref<1024xf32, #tpu.memory_space<vmem>>, vector<16xf32>,
    tpu.vector_store_idx %arg7[%get3A_175], %get3A_177 {add = true} : memref<1024xf32, #tpu.memory_space<vmem>>[vector<16xi32>], vector<16xf32>,
    %get3A_178 = arith.constant 176 : index
    %get3A_179 = tpu.vector_load %arg5[%get3A_178] {strides = array<i32>} : memref<1024xi32, #tpu.memory_space<vmem>>, vector<16xi32>,
    %get3A_180 = arith.constant 176 : index
    %get3A_181 = tpu.vector_load %arg6[%get3A_180] {strides = array<i32>} : memref<1024xf32, #tpu.memory_space<vmem>>, vector<16xf32>,
    tpu.vector_store_idx %arg7[%get3A_179], %get3A_181 {add = true} : memref<1024xf32, #tpu.memory_space<vmem>>[vector<16xi32>], vector<16xf32>,
    %get3A_182 = arith.constant 192 : index
    %get3A_183 = tpu.vector_load %arg5[%get3A_182] {strides = array<i32>} : memref<1024xi32, #tpu.memory_space<vmem>>, vector<16xi32>,
    %get3A_184 = arith.constant 192 : index
    %get3A_185 = tpu.vector_load %arg6[%get3A_184] {strides = array<i32>} : memref<1024xf32, #tpu.memory_space<vmem>>, vector<16xf32>,
    tpu.vector_store_idx %arg7[%get3A_183], %get3A_185 {add = true} : memref<1024xf32, #tpu.memory_space<vmem>>[vector<16xi32>], vector<16xf32>,
    %get3A_186 = arith.constant 208 : index
    %get3A_187 = tpu.vector_load %arg5[%get3A_186] {strides = array<i32>} : memref<1024xi32, #tpu.memory_space<vmem>>, vector<16xi32>,
    %get3A_188 = arith.constant 208 : index
    %get3A_189 = tpu.vector_load %arg6[%get3A_188] {strides = array<i32>} : memref<1024xf32, #tpu.memory_space<vmem>>, vector<16xf32>,
    tpu.vector_store_idx %arg7[%get3A_187], %get3A_189 {add = true} : memref<1024xf32, #tpu.memory_space<vmem>>[vector<16xi32>], vector<16xf32>,
    %get3A_190 = arith.constant 224 : index
    %get3A_191 = tpu.vector_load %arg5[%get3A_190] {strides = array<i32>} : memref<1024xi32, #tpu.memory_space<vmem>>, vector<16xi32>,
    %get3A_192 = arith.constant 224 : index
    %get3A_193 = tpu.vector_load %arg6[%get3A_192] {strides = array<i32>} : memref<1024xf32, #tpu.memory_space<vmem>>, vector<16xf32>,
    tpu.vector_store_idx %arg7[%get3A_191], %get3A_193 {add = true} : memref<1024xf32, #tpu.memory_space<vmem>>[vector<16xi32>], vector<16xf32>,
    %get3A_194 = arith.constant 240 : index
    %get3A_195 = tpu.vector_load %arg5[%get3A_194] {strides = array<i32>} : memref<1024xi32, #tpu.memory_space<vmem>>, vector<16xi32>,
    %get3A_196 = arith.constant 240 : index
    %get3A_197 = tpu.vector_load %arg6[%get3A_196] {strides = array<i32>} : memref<1024xf32, #tpu.memory_space<vmem>>, vector<16xf32>,
    tpu.vector_store_idx %arg7[%get3A_195], %get3A_197 {add = true} : memref<1024xf32, #tpu.memory_space<vmem>>[vector<16xi32>], vector<16xf32>,
    %get3A_198 = arith.constant 256 : index
    %get3A_199 = tpu.vector_load %arg5[%get3A_198] {strides = array<i32>} : memref<1024xi32, #tpu.memory_space<vmem>>, vector<16xi32>,
    %get3A_200 = arith.constant 256 : index
    %get3A_201 = tpu.vector_load %arg6[%get3A_200] {strides = array<i32>} : memref<1024xf32, #tpu.memory_space<vmem>>, vector<16xf32>,
    tpu.vector_store_idx %arg7[%get3A_199], %get3A_201 {add = true} : memref<1024xf32, #tpu.memory_space<vmem>>[vector<16xi32>], vector<16xf32>,
    %get3A_202 = arith.constant 272 : index
    %get3A_203 = tpu.vector_load %arg5[%get3A_202] {strides = array<i32>} : memref<1024xi32, #tpu.memory_space<vmem>>, vector<16xi32>,
    %get3A_204 = arith.constant 272 : index
    %get3A_205 = tpu.vector_load %arg6[%get3A_204] {strides = array<i32>} : memref<1024xf32, #tpu.memory_space<vmem>>, vector<16xf32>,
    tpu.vector_store_idx %arg7[%get3A_203], %get3A_205 {add = true} : memref<1024xf32, #tpu.memory_space<vmem>>[vector<16xi32>], vector<16xf32>,
    %get3A_206 = arith.constant 288 : index
    %get3A_207 = tpu.vector_load %arg5[%get3A_206] {strides = array<i32>} : memref<1024xi32, #tpu.memory_space<vmem>>, vector<16xi32>,
    %get3A_208 = arith.constant 288 : index
    %get3A_209 = tpu.vector_load %arg6[%get3A_208] {strides = array<i32>} : memref<1024xf32, #tpu.memory_space<vmem>>, vector<16xf32>,
    tpu.vector_store_idx %arg7[%get3A_207], %get3A_209 {add = true} : memref<1024xf32, #tpu.memory_space<vmem>>[vector<16xi32>], vector<16xf32>,
    %get3A_210 = arith.constant 304 : index
    %get3A_211 = tpu.vector_load %arg5[%get3A_210] {strides = array<i32>} : memref<1024xi32, #tpu.memory_space<vmem>>, vector<16xi32>,
    %get3A_212 = arith.constant 304 : index
    %get3A_213 = tpu.vector_load %arg6[%get3A_212] {strides = array<i32>} : memref<1024xf32, #tpu.memory_space<vmem>>, vector<16xf32>,
    tpu.vector_store_idx %arg7[%get3A_211], %get3A_213 {add = true} : memref<1024xf32, #tpu.memory_space<vmem>>[vector<16xi32>], vector<16xf32>,
    %get3A_214 = arith.constant 320 : index
    %get3A_215 = tpu.vector_load %arg5[%get3A_214] {strides = array<i32>} : memref<1024xi32, #tpu.memory_space<vmem>>, vector<16xi32>,
    %get3A_216 = arith.constant 320 : index
    %get3A_217 = tpu.vector_load %arg6[%get3A_216] {strides = array<i32>} : memref<1024xf32, #tpu.memory_space<vmem>>, vector<16xf32>,
    tpu.vector_store_idx %arg7[%get3A_215], %get3A_217 {add = true} : memref<1024xf32, #tpu.memory_space<vmem>>[vector<16xi32>], vector<16xf32>,
    %get3A_218 = arith.constant 336 : index
    %get3A_219 = tpu.vector_load %arg5[%get3A_218] {strides = array<i32>} : memref<1024xi32, #tpu.memory_space<vmem>>, vector<16xi32>,
    %get3A_220 = arith.constant 336 : index
    %get3A_221 = tpu.vector_load %arg6[%get3A_220] {strides = array<i32>} : memref<1024xf32, #tpu.memory_space<vmem>>, vector<16xf32>,
    tpu.vector_store_idx %arg7[%get3A_219], %get3A_221 {add = true} : memref<1024xf32, #tpu.memory_space<vmem>>[vector<16xi32>], vector<16xf32>,
    %get3A_222 = arith.constant 352 : index
    %get3A_223 = tpu.vector_load %arg5[%get3A_222] {strides = array<i32>} : memref<1024xi32, #tpu.memory_space<vmem>>, vector<16xi32>,
    %get3A_224 = arith.constant 352 : index
    %get3A_225 = tpu.vector_load %arg6[%get3A_224] {strides = array<i32>} : memref<1024xf32, #tpu.memory_space<vmem>>, vector<16xf32>,
    tpu.vector_store_idx %arg7[%get3A_223], %get3A_225 {add = true} : memref<1024xf32, #tpu.memory_space<vmem>>[vector<16xi32>], vector<16xf32>,
    %get3A_226 = arith.constant 368 : index
    %get3A_227 = tpu.vector_load %arg5[%get3A_226] {strides = array<i32>} : memref<1024xi32, #tpu.memory_space<vmem>>, vector<16xi32>,
    %get3A_228 = arith.constant 368 : index
    %get3A_229 = tpu.vector_load %arg6[%get3A_228] {strides = array<i32>} : memref<1024xf32, #tpu.memory_space<vmem>>, vector<16xf32>,
    tpu.vector_store_idx %arg7[%get3A_227], %get3A_229 {add = true} : memref<1024xf32, #tpu.memory_space<vmem>>[vector<16xi32>], vector<16xf32>,
    %get3A_230 = arith.constant 384 : index
    %get3A_231 = tpu.vector_load %arg5[%get3A_230] {strides = array<i32>} : memref<1024xi32, #tpu.memory_space<vmem>>, vector<16xi32>,
    %get3A_232 = arith.constant 384 : index
    %get3A_233 = tpu.vector_load %arg6[%get3A_232] {strides = array<i32>} : memref<1024xf32, #tpu.memory_space<vmem>>, vector<16xf32>,
    tpu.vector_store_idx %arg7[%get3A_231], %get3A_233 {add = true} : memref<1024xf32, #tpu.memory_space<vmem>>[vector<16xi32>], vector<16xf32>,
    %get3A_234 = arith.constant 400 : index
    %get3A_235 = tpu.vector_load %arg5[%get3A_234] {strides = array<i32>} : memref<1024xi32, #tpu.memory_space<vmem>>, vector<16xi32>,
    %get3A_236 = arith.constant 400 : index
    %get3A_237 = tpu.vector_load %arg6[%get3A_236] {strides = array<i32>} : memref<1024xf32, #tpu.memory_space<vmem>>, vector<16xf32>,
    tpu.vector_store_idx %arg7[%get3A_235], %get3A_237 {add = true} : memref<1024xf32, #tpu.memory_space<vmem>>[vector<16xi32>], vector<16xf32>,
    %get3A_238 = arith.constant 416 : index
    %get3A_239 = tpu.vector_load %arg5[%get3A_238] {strides = array<i32>} : memref<1024xi32, #tpu.memory_space<vmem>>, vector<16xi32>,
    %get3A_240 = arith.constant 416 : index
    %get3A_241 = tpu.vector_load %arg6[%get3A_240] {strides = array<i32>} : memref<1024xf32, #tpu.memory_space<vmem>>, vector<16xf32>,
    tpu.vector_store_idx %arg7[%get3A_239], %get3A_241 {add = true} : memref<1024xf32, #tpu.memory_space<vmem>>[vector<16xi32>], vector<16xf32>,
    %get3A_242 = arith.constant 432 : index
    %get3A_243 = tpu.vector_load %arg5[%get3A_242] {strides = array<i32>} : memref<1024xi32, #tpu.memory_space<vmem>>, vector<16xi32>,
    %get3A_244 = arith.constant 432 : index
    %get3A_245 = tpu.vector_load %arg6[%get3A_244] {strides = array<i32>} : memref<1024xf32, #tpu.memory_space<vmem>>, vector<16xf32>,
    tpu.vector_store_idx %arg7[%get3A_243], %get3A_245 {add = true} : memref<1024xf32, #tpu.memory_space<vmem>>[vector<16xi32>], vector<16xf32>,
    %get3A_246 = arith.constant 448 : index
    %get3A_247 = tpu.vector_load %arg5[%get3A_246] {strides = array<i32>} : memref<1024xi32, #tpu.memory_space<vmem>>, vector<16xi32>,
    %get3A_248 = arith.constant 448 : index
    %get3A_249 = tpu.vector_load %arg6[%get3A_248] {strides = array<i32>} : memref<1024xf32, #tpu.memory_space<vmem>>, vector<16xf32>,
    tpu.vector_store_idx %arg7[%get3A_247], %get3A_249 {add = true} : memref<1024xf32, #tpu.memory_space<vmem>>[vector<16xi32>], vector<16xf32>,
    %get3A_250 = arith.constant 464 : index
    %get3A_251 = tpu.vector_load %arg5[%get3A_250] {strides = array<i32>} : memref<1024xi32, #tpu.memory_space<vmem>>, vector<16xi32>,
    %get3A_252 = arith.constant 464 : index
    %get3A_253 = tpu.vector_load %arg6[%get3A_252] {strides = array<i32>} : memref<1024xf32, #tpu.memory_space<vmem>>, vector<16xf32>,
    tpu.vector_store_idx %arg7[%get3A_251], %get3A_253 {add = true} : memref<1024xf32, #tpu.memory_space<vmem>>[vector<16xi32>], vector<16xf32>,
    %get3A_254 = arith.constant 480 : index
    %get3A_255 = tpu.vector_load %arg5[%get3A_254] {strides = array<i32>} : memref<1024xi32, #tpu.memory_space<vmem>>, vector<16xi32>,
    %get3A_256 = arith.constant 480 : index
    %get3A_257 = tpu.vector_load %arg6[%get3A_256] {strides = array<i32>} : memref<1024xf32, #tpu.memory_space<vmem>>, vector<16xf32>,
    tpu.vector_store_idx %arg7[%get3A_255], %get3A_257 {add = true} : memref<1024xf32, #tpu.memory_space<vmem>>[vector<16xi32>], vector<16xf32>,
    %get3A_258 = arith.constant 496 : index
    %get3A_259 = tpu.vector_load %arg5[%get3A_258] {strides = array<i32>} : memref<1024xi32, #tpu.memory_space<vmem>>, vector<16xi32>,
    %get3A_260 = arith.constant 496 : index
    %get3A_261 = tpu.vector_load %arg6[%get3A_260] {strides = array<i32>} : memref<1024xf32, #tpu.memory_space<vmem>>, vector<16xf32>,
    tpu.vector_store_idx %arg7[%get3A_259], %get3A_261 {add = true} : memref<1024xf32, #tpu.memory_space<vmem>>[vector<16xi32>], vector<16xf32>,
    %get3A_262 = arith.constant 512 : index
    %get3A_263 = tpu.vector_load %arg5[%get3A_262] {strides = array<i32>} : memref<1024xi32, #tpu.memory_space<vmem>>, vector<16xi32>,
    %get3A_264 = arith.constant 512 : index
    %get3A_265 = tpu.vector_load %arg6[%get3A_264] {strides = array<i32>} : memref<1024xf32, #tpu.memory_space<vmem>>, vector<16xf32>,
    tpu.vector_store_idx %arg7[%get3A_263], %get3A_265 {add = true} : memref<1024xf32, #tpu.memory_space<vmem>>[vector<16xi32>], vector<16xf32>,
    %get3A_266 = arith.constant 528 : index
    %get3A_267 = tpu.vector_load %arg5[%get3A_266] {strides = array<i32>} : memref<1024xi32, #tpu.memory_space<vmem>>, vector<16xi32>,
    %get3A_268 = arith.constant 528 : index
    %get3A_269 = tpu.vector_load %arg6[%get3A_268] {strides = array<i32>} : memref<1024xf32, #tpu.memory_space<vmem>>, vector<16xf32>,
    tpu.vector_store_idx %arg7[%get3A_267], %get3A_269 {add = true} : memref<1024xf32, #tpu.memory_space<vmem>>[vector<16xi32>], vector<16xf32>,
    %get3A_270 = arith.constant 544 : index
    %get3A_271 = tpu.vector_load %arg5[%get3A_270] {strides = array<i32>} : memref<1024xi32, #tpu.memory_space<vmem>>, vector<16xi32>,
    %get3A_272 = arith.constant 544 : index
    %get3A_273 = tpu.vector_load %arg6[%get3A_272] {strides = array<i32>} : memref<1024xf32, #tpu.memory_space<vmem>>, vector<16xf32>,
    tpu.vector_store_idx %arg7[%get3A_271], %get3A_273 {add = true} : memref<1024xf32, #tpu.memory_space<vmem>>[vector<16xi32>], vector<16xf32>,
    %get3A_274 = arith.constant 560 : index
    %get3A_275 = tpu.vector_load %arg5[%get3A_274] {strides = array<i32>} : memref<1024xi32, #tpu.memory_space<vmem>>, vector<16xi32>,
    %get3A_276 = arith.constant 560 : index
    %get3A_277 = tpu.vector_load %arg6[%get3A_276] {strides = array<i32>} : memref<1024xf32, #tpu.memory_space<vmem>>, vector<16xf32>,
    tpu.vector_store_idx %arg7[%get3A_275], %get3A_277 {add = true} : memref<1024xf32, #tpu.memory_space<vmem>>[vector<16xi32>], vector<16xf32>,
    %get3A_278 = arith.constant 576 : index
    %get3A_279 = tpu.vector_load %arg5[%get3A_278] {strides = array<i32>} : memref<1024xi32, #tpu.memory_space<vmem>>, vector<16xi32>,
    %get3A_280 = arith.constant 576 : index
    %get3A_281 = tpu.vector_load %arg6[%get3A_280] {strides = array<i32>} : memref<1024xf32, #tpu.memory_space<vmem>>, vector<16xf32>,
    tpu.vector_store_idx %arg7[%get3A_279], %get3A_281 {add = true} : memref<1024xf32, #tpu.memory_space<vmem>>[vector<16xi32>], vector<16xf32>,
    %get3A_282 = arith.constant 592 : index
    %get3A_283 = tpu.vector_load %arg5[%get3A_282] {strides = array<i32>} : memref<1024xi32, #tpu.memory_space<vmem>>, vector<16xi32>,
    %get3A_284 = arith.constant 592 : index
    %get3A_285 = tpu.vector_load %arg6[%get3A_284] {strides = array<i32>} : memref<1024xf32, #tpu.memory_space<vmem>>, vector<16xf32>,
    tpu.vector_store_idx %arg7[%get3A_283], %get3A_285 {add = true} : memref<1024xf32, #tpu.memory_space<vmem>>[vector<16xi32>], vector<16xf32>,
    %get3A_286 = arith.constant 608 : index
    %get3A_287 = tpu.vector_load %arg5[%get3A_286] {strides = array<i32>} : memref<1024xi32, #tpu.memory_space<vmem>>, vector<16xi32>,
    %get3A_288 = arith.constant 608 : index
    %get3A_289 = tpu.vector_load %arg6[%get3A_288] {strides = array<i32>} : memref<1024xf32, #tpu.memory_space<vmem>>, vector<16xf32>,
    tpu.vector_store_idx %arg7[%get3A_287], %get3A_289 {add = true} : memref<1024xf32, #tpu.memory_space<vmem>>[vector<16xi32>], vector<16xf32>,
    %get3A_290 = arith.constant 624 : index
    %get3A_291 = tpu.vector_load %arg5[%get3A_290] {strides = array<i32>} : memref<1024xi32, #tpu.memory_space<vmem>>, vector<16xi32>,
    %get3A_292 = arith.constant 624 : index
    %get3A_293 = tpu.vector_load %arg6[%get3A_292] {strides = array<i32>} : memref<1024xf32, #tpu.memory_space<vmem>>, vector<16xf32>,
    tpu.vector_store_idx %arg7[%get3A_291], %get3A_293 {add = true} : memref<1024xf32, #tpu.memory_space<vmem>>[vector<16xi32>], vector<16xf32>,
    %get3A_294 = arith.constant 640 : index
    %get3A_295 = tpu.vector_load %arg5[%get3A_294] {strides = array<i32>} : memref<1024xi32, #tpu.memory_space<vmem>>, vector<16xi32>,
    %get3A_296 = arith.constant 640 : index
    %get3A_297 = tpu.vector_load %arg6[%get3A_296] {strides = array<i32>} : memref<1024xf32, #tpu.memory_space<vmem>>, vector<16xf32>,
    tpu.vector_store_idx %arg7[%get3A_295], %get3A_297 {add = true} : memref<1024xf32, #tpu.memory_space<vmem>>[vector<16xi32>], vector<16xf32>,
    %get3A_298 = arith.constant 656 : index
    %get3A_299 = tpu.vector_load %arg5[%get3A_298] {strides = array<i32>} : memref<1024xi32, #tpu.memory_space<vmem>>, vector<16xi32>,
    %get3A_300 = arith.constant 656 : index
    %get3A_301 = tpu.vector_load %arg6[%get3A_300] {strides = array<i32>} : memref<1024xf32, #tpu.memory_space<vmem>>, vector<16xf32>,
    tpu.vector_store_idx %arg7[%get3A_299], %get3A_301 {add = true} : memref<1024xf32, #tpu.memory_space<vmem>>[vector<16xi32>], vector<16xf32>,
    %get3A_302 = arith.constant 672 : index
    %get3A_303 = tpu.vector_load %arg5[%get3A_302] {strides = array<i32>} : memref<1024xi32, #tpu.memory_space<vmem>>, vector<16xi32>,
    %get3A_304 = arith.constant 672 : index
    %get3A_305 = tpu.vector_load %arg6[%get3A_304] {strides = array<i32>} : memref<1024xf32, #tpu.memory_space<vmem>>, vector<16xf32>,
    tpu.vector_store_idx %arg7[%get3A_303], %get3A_305 {add = true} : memref<1024xf32, #tpu.memory_space<vmem>>[vector<16xi32>], vector<16xf32>,
    %get3A_306 = arith.constant 688 : index
    %get3A_307 = tpu.vector_load %arg5[%get3A_306] {strides = array<i32>} : memref<1024xi32, #tpu.memory_space<vmem>>, vector<16xi32>,
    %get3A_308 = arith.constant 688 : index
    %get3A_309 = tpu.vector_load %arg6[%get3A_308] {strides = array<i32>} : memref<1024xf32, #tpu.memory_space<vmem>>, vector<16xf32>,
    tpu.vector_store_idx %arg7[%get3A_307], %get3A_309 {add = true} : memref<1024xf32, #tpu.memory_space<vmem>>[vector<16xi32>], vector<16xf32>,
    %get3A_310 = arith.constant 704 : index
    %get3A_311 = tpu.vector_load %arg5[%get3A_310] {strides = array<i32>} : memref<1024xi32, #tpu.memory_space<vmem>>, vector<16xi32>,
    %get3A_312 = arith.constant 704 : index
    %get3A_313 = tpu.vector_load %arg6[%get3A_312] {strides = array<i32>} : memref<1024xf32, #tpu.memory_space<vmem>>, vector<16xf32>,
    tpu.vector_store_idx %arg7[%get3A_311], %get3A_313 {add = true} : memref<1024xf32, #tpu.memory_space<vmem>>[vector<16xi32>], vector<16xf32>,
    %get3A_314 = arith.constant 720 : index
    %get3A_315 = tpu.vector_load %arg5[%get3A_314] {strides = array<i32>} : memref<1024xi32, #tpu.memory_space<vmem>>, vector<16xi32>,
    %get3A_316 = arith.constant 720 : index
    %get3A_317 = tpu.vector_load %arg6[%get3A_316] {strides = array<i32>} : memref<1024xf32, #tpu.memory_space<vmem>>, vector<16xf32>,
    tpu.vector_store_idx %arg7[%get3A_315], %get3A_317 {add = true} : memref<1024xf32, #tpu.memory_space<vmem>>[vector<16xi32>], vector<16xf32>,
    %get3A_318 = arith.constant 736 : index
    %get3A_319 = tpu.vector_load %arg5[%get3A_318] {strides = array<i32>} : memref<1024xi32, #tpu.memory_space<vmem>>, vector<16xi32>,
    %get3A_320 = arith.constant 736 : index
    %get3A_321 = tpu.vector_load %arg6[%get3A_320] {strides = array<i32>} : memref<1024xf32, #tpu.memory_space<vmem>>, vector<16xf32>,
    tpu.vector_store_idx %arg7[%get3A_319], %get3A_321 {add = true} : memref<1024xf32, #tpu.memory_space<vmem>>[vector<16xi32>], vector<16xf32>,
    %get3A_322 = arith.constant 752 : index
    %get3A_323 = tpu.vector_load %arg5[%get3A_322] {strides = array<i32>} : memref<1024xi32, #tpu.memory_space<vmem>>, vector<16xi32>,
    %get3A_324 = arith.constant 752 : index
    %get3A_325 = tpu.vector_load %arg6[%get3A_324] {strides = array<i32>} : memref<1024xf32, #tpu.memory_space<vmem>>, vector<16xf32>,
    tpu.vector_store_idx %arg7[%get3A_323], %get3A_325 {add = true} : memref<1024xf32, #tpu.memory_space<vmem>>[vector<16xi32>], vector<16xf32>,
    %get3A_326 = arith.constant 768 : index
    %get3A_327 = tpu.vector_load %arg5[%get3A_326] {strides = array<i32>} : memref<1024xi32, #tpu.memory_space<vmem>>, vector<16xi32>,
    %get3A_328 = arith.constant 768 : index
    %get3A_329 = tpu.vector_load %arg6[%get3A_328] {strides = array<i32>} : memref<1024xf32, #tpu.memory_space<vmem>>, vector<16xf32>,
    tpu.vector_store_idx %arg7[%get3A_327], %get3A_329 {add = true} : memref<1024xf32, #tpu.memory_space<vmem>>[vector<16xi32>], vector<16xf32>,
    %get3A_330 = arith.constant 784 : index
    %get3A_331 = tpu.vector_load %arg5[%get3A_330] {strides = array<i32>} : memref<1024xi32, #tpu.memory_space<vmem>>, vector<16xi32>,
    %get3A_332 = arith.constant 784 : index
    %get3A_333 = tpu.vector_load %arg6[%get3A_332] {strides = array<i32>} : memref<1024xf32, #tpu.memory_space<vmem>>, vector<16xf32>,
    tpu.vector_store_idx %arg7[%get3A_331], %get3A_333 {add = true} : memref<1024xf32, #tpu.memory_space<vmem>>[vector<16xi32>], vector<16xf32>,
    %get3A_334 = arith.constant 800 : index
    %get3A_335 = tpu.vector_load %arg5[%get3A_334] {strides = array<i32>} : memref<1024xi32, #tpu.memory_space<vmem>>, vector<16xi32>,
    %get3A_336 = arith.constant 800 : index
    %get3A_337 = tpu.vector_load %arg6[%get3A_336] {strides = array<i32>} : memref<1024xf32, #tpu.memory_space<vmem>>, vector<16xf32>,
    tpu.vector_store_idx %arg7[%get3A_335], %get3A_337 {add = true} : memref<1024xf32, #tpu.memory_space<vmem>>[vector<16xi32>], vector<16xf32>,
    %get3A_338 = arith.constant 816 : index
    %get3A_339 = tpu.vector_load %arg5[%get3A_338] {strides = array<i32>} : memref<1024xi32, #tpu.memory_space<vmem>>, vector<16xi32>,
    %get3A_340 = arith.constant 816 : index
    %get3A_341 = tpu.vector_load %arg6[%get3A_340] {strides = array<i32>} : memref<1024xf32, #tpu.memory_space<vmem>>, vector<16xf32>,
    tpu.vector_store_idx %arg7[%get3A_339], %get3A_341 {add = true} : memref<1024xf32, #tpu.memory_space<vmem>>[vector<16xi32>], vector<16xf32>,
    %get3A_342 = arith.constant 832 : index
    %get3A_343 = tpu.vector_load %arg5[%get3A_342] {strides = array<i32>} : memref<1024xi32, #tpu.memory_space<vmem>>, vector<16xi32>,
    %get3A_344 = arith.constant 832 : index
    %get3A_345 = tpu.vector_load %arg6[%get3A_344] {strides = array<i32>} : memref<1024xf32, #tpu.memory_space<vmem>>, vector<16xf32>,
    tpu.vector_store_idx %arg7[%get3A_343], %get3A_345 {add = true} : memref<1024xf32, #tpu.memory_space<vmem>>[vector<16xi32>], vector<16xf32>,
    %get3A_346 = arith.constant 848 : index
    %get3A_347 = tpu.vector_load %arg5[%get3A_346] {strides = array<i32>} : memref<1024xi32, #tpu.memory_space<vmem>>, vector<16xi32>,
    %get3A_348 = arith.constant 848 : index
    %get3A_349 = tpu.vector_load %arg6[%get3A_348] {strides = array<i32>} : memref<1024xf32, #tpu.memory_space<vmem>>, vector<16xf32>,
    tpu.vector_store_idx %arg7[%get3A_347], %get3A_349 {add = true} : memref<1024xf32, #tpu.memory_space<vmem>>[vector<16xi32>], vector<16xf32>,
    %get3A_350 = arith.constant 864 : index
    %get3A_351 = tpu.vector_load %arg5[%get3A_350] {strides = array<i32>} : memref<1024xi32, #tpu.memory_space<vmem>>, vector<16xi32>,
    %get3A_352 = arith.constant 864 : index
    %get3A_353 = tpu.vector_load %arg6[%get3A_352] {strides = array<i32>} : memref<1024xf32, #tpu.memory_space<vmem>>, vector<16xf32>,
    tpu.vector_store_idx %arg7[%get3A_351], %get3A_353 {add = true} : memref<1024xf32, #tpu.memory_space<vmem>>[vector<16xi32>], vector<16xf32>,
    %get3A_354 = arith.constant 880 : index
    %get3A_355 = tpu.vector_load %arg5[%get3A_354] {strides = array<i32>} : memref<1024xi32, #tpu.memory_space<vmem>>, vector<16xi32>,
    %get3A_356 = arith.constant 880 : index
    %get3A_357 = tpu.vector_load %arg6[%get3A_356] {strides = array<i32>} : memref<1024xf32, #tpu.memory_space<vmem>>, vector<16xf32>,
    tpu.vector_store_idx %arg7[%get3A_355], %get3A_357 {add = true} : memref<1024xf32, #tpu.memory_space<vmem>>[vector<16xi32>], vector<16xf32>,
    %get3A_358 = arith.constant 896 : index
    %get3A_359 = tpu.vector_load %arg5[%get3A_358] {strides = array<i32>} : memref<1024xi32, #tpu.memory_space<vmem>>, vector<16xi32>,
    %get3A_360 = arith.constant 896 : index
    %get3A_361 = tpu.vector_load %arg6[%get3A_360] {strides = array<i32>} : memref<1024xf32, #tpu.memory_space<vmem>>, vector<16xf32>,
    tpu.vector_store_idx %arg7[%get3A_359], %get3A_361 {add = true} : memref<1024xf32, #tpu.memory_space<vmem>>[vector<16xi32>], vector<16xf32>,
    %get3A_362 = arith.constant 912 : index
    %get3A_363 = tpu.vector_load %arg5[%get3A_362] {strides = array<i32>} : memref<1024xi32, #tpu.memory_space<vmem>>, vector<16xi32>,
    %get3A_364 = arith.constant 912 : index
    %get3A_365 = tpu.vector_load %arg6[%get3A_364] {strides = array<i32>} : memref<1024xf32, #tpu.memory_space<vmem>>, vector<16xf32>,
    tpu.vector_store_idx %arg7[%get3A_363], %get3A_365 {add = true} : memref<1024xf32, #tpu.memory_space<vmem>>[vector<16xi32>], vector<16xf32>,
    %get3A_366 = arith.constant 928 : index
    %get3A_367 = tpu.vector_load %arg5[%get3A_366] {strides = array<i32>} : memref<1024xi32, #tpu.memory_space<vmem>>, vector<16xi32>,
    %get3A_368 = arith.constant 928 : index
    %get3A_369 = tpu.vector_load %arg6[%get3A_368] {strides = array<i32>} : memref<1024xf32, #tpu.memory_space<vmem>>, vector<16xf32>,
    tpu.vector_store_idx %arg7[%get3A_367], %get3A_369 {add = true} : memref<1024xf32, #tpu.memory_space<vmem>>[vector<16xi32>], vector<16xf32>,
    %get3A_370 = arith.constant 944 : index
    %get3A_371 = tpu.vector_load %arg5[%get3A_370] {strides = array<i32>} : memref<1024xi32, #tpu.memory_space<vmem>>, vector<16xi32>,
    %get3A_372 = arith.constant 944 : index
    %get3A_373 = tpu.vector_load %arg6[%get3A_372] {strides = array<i32>} : memref<1024xf32, #tpu.memory_space<vmem>>, vector<16xf32>,
    tpu.vector_store_idx %arg7[%get3A_371], %get3A_373 {add = true} : memref<1024xf32, #tpu.memory_space<vmem>>[vector<16xi32>], vector<16xf32>,
    %get3A_374 = arith.constant 960 : index
    %get3A_375 = tpu.vector_load %arg5[%get3A_374] {strides = array<i32>} : memref<1024xi32, #tpu.memory_space<vmem>>, vector<16xi32>,
    %get3A_376 = arith.constant 960 : index
    %get3A_377 = tpu.vector_load %arg6[%get3A_376] {strides = array<i32>} : memref<1024xf32, #tpu.memory_space<vmem>>, vector<16xf32>,
    tpu.vector_store_idx %arg7[%get3A_375], %get3A_377 {add = true} : memref<1024xf32, #tpu.memory_space<vmem>>[vector<16xi32>], vector<16xf32>,
    %get3A_378 = arith.constant 976 : index
    %get3A_379 = tpu.vector_load %arg5[%get3A_378] {strides = array<i32>} : memref<1024xi32, #tpu.memory_space<vmem>>, vector<16xi32>,
    %get3A_380 = arith.constant 976 : index
    %get3A_381 = tpu.vector_load %arg6[%get3A_380] {strides = array<i32>} : memref<1024xf32, #tpu.memory_space<vmem>>, vector<16xf32>,
    tpu.vector_store_idx %arg7[%get3A_379], %get3A_381 {add = true} : memref<1024xf32, #tpu.memory_space<vmem>>[vector<16xi32>], vector<16xf32>,
    %get3A_382 = arith.constant 992 : index
    %get3A_383 = tpu.vector_load %arg5[%get3A_382] {strides = array<i32>} : memref<1024xi32, #tpu.memory_space<vmem>>, vector<16xi32>,
    %get3A_384 = arith.constant 992 : index
    %get3A_385 = tpu.vector_load %arg6[%get3A_384] {strides = array<i32>} : memref<1024xf32, #tpu.memory_space<vmem>>, vector<16xf32>,
    tpu.vector_store_idx %arg7[%get3A_383], %get3A_385 {add = true} : memref<1024xf32, #tpu.memory_space<vmem>>[vector<16xi32>], vector<16xf32>,
    %get3A_386 = arith.constant 1008 : index
    %get3A_387 = tpu.vector_load %arg5[%get3A_386] {strides = array<i32>} : memref<1024xi32, #tpu.memory_space<vmem>>, vector<16xi32>,
    %get3A_388 = arith.constant 1008 : index
    %get3A_389 = tpu.vector_load %arg6[%get3A_388] {strides = array<i32>} : memref<1024xf32, #tpu.memory_space<vmem>>, vector<16xf32>,
    tpu.vector_store_idx %arg7[%get3A_387], %get3A_389 {add = true} : memref<1024xf32, #tpu.memory_space<vmem>>[vector<16xi32>], vector<16xf32>,
    "tpu.region"() ({
      %run_scoped3A = tpu.sem_alloc : memref<!tpu.dma_semaphore, #tpu.memory_space<semaphore_mem>>
      %dma_start3A = arith.constant 0 : i32
      %dma_start3A_978 = tpu.memref_slice %arg10[%arg1, %dma_start3A] : memref<16x1024xf32, #tpu.memory_space<vmem_shared>> -> memref<1x1024xf32, #tpu.memory_space<vmem_shared>>
      %dma_start3A_979 = tpu.memref_squeeze %dma_start3A_978 : memref<1x1024xf32, #tpu.memory_space<vmem_shared>> -> memref<1024xf32, #tpu.memory_space<vmem_shared>>
      %dma_start3A_980 = arith.constant 0 : i32
      %dma_start3A_981 = tpu.memref_slice %arg10[%arg1, %dma_start3A_980] : memref<16x1024xf32, #tpu.memory_space<vmem_shared>> -> memref<1x1024xf32, #tpu.memory_space<vmem_shared>>
      %dma_start3A_982 = tpu.memref_squeeze %dma_start3A_981 : memref<1x1024xf32, #tpu.memory_space<vmem_shared>> -> memref<1024xf32, #tpu.memory_space<vmem_shared>>
      tpu.enqueue_dma source(%arg7 : memref<1024xf32, #tpu.memory_space<vmem>>) target(%dma_start3A_982 : memref<1024xf32, #tpu.memory_space<vmem_shared>>) target_semaphore(%run_scoped3A : memref<!tpu.dma_semaphore, #tpu.memory_space<semaphore_mem>>)
      %dma_wait3A = arith.constant 0 : i32
      %dma_wait3A_983 = tpu.memref_slice %arg10[%arg1, %dma_wait3A] : memref<16x1024xf32, #tpu.memory_space<vmem_shared>> -> memref<1x1024xf32, #tpu.memory_space<vmem_shared>>
      %dma_wait3A_984 = tpu.memref_squeeze %dma_wait3A_983 : memref<1x1024xf32, #tpu.memory_space<vmem_shared>> -> memref<1024xf32, #tpu.memory_space<vmem_shared>>
      %dma_wait3A_985 = arith.constant 0 : i32
      %dma_wait3A_986 = tpu.memref_slice %arg10[%arg1, %dma_wait3A_985] : memref<16x1024xf32, #tpu.memory_space<vmem_shared>> -> memref<1x1024xf32, #tpu.memory_space<vmem_shared>>
      %dma_wait3A_987 = tpu.memref_squeeze %dma_wait3A_986 : memref<1x1024xf32, #tpu.memory_space<vmem_shared>> -> memref<1024xf32, #tpu.memory_space<vmem_shared>>
      tpu.wait_dma2 semaphore(%run_scoped3A : memref<!tpu.dma_semaphore, #tpu.memory_space<semaphore_mem>>) src(%arg7 : memref<1024xf32, #tpu.memory_space<vmem>>) dst(%dma_wait3A_987 : memref<1024xf32, #tpu.memory_space<vmem_shared>>)
      tpu.yield
    }) : () -> ()
    %barrier3A = arith.constant 0 : index
    tpu.barrier barrier_id(%barrier3A)
    "tpu.region"() ({
      %run_scoped3A = tpu.sem_alloc : memref<!tpu.dma_semaphore, #tpu.memory_space<semaphore_mem>>
      tpu.enqueue_dma source(%arg10 : memref<16x1024xf32, #tpu.memory_space<vmem_shared>>) target(%arg8 : memref<16x1024xf32, #tpu.memory_space<vmem>>) target_semaphore(%run_scoped3A : memref<!tpu.dma_semaphore, #tpu.memory_space<semaphore_mem>>)
      tpu.wait_dma2 semaphore(%run_scoped3A : memref<!tpu.dma_semaphore, #tpu.memory_space<semaphore_mem>>) src(%arg10 : memref<16x1024xf32, #tpu.memory_space<vmem_shared>>) dst(%arg8 : memref<16x1024xf32, #tpu.memory_space<vmem>>)
      tpu.yield
    }) : () -> ()
    %mul3A_390 = arith.constant 64 : i32
    %mul3A_391 = arith.muli %arg1, %mul3A_390 : i32
    %add3A = arith.constant 0 : i32
    %add3A_392 = arith.addi %mul3A_391, %add3A : i32
    %get3A_393 = arith.constant 0 : i32
    %get3A_394 = arith.index_cast %get3A_393 : i32 to index
    %get3A_395 = arith.index_cast %add3A_392 : i32 to index
    %get3A_396 = tpu.vector_load %arg8[%get3A_394, %get3A_395] {strides = array<i32>} : memref<16x1024xf32, #tpu.memory_space<vmem>>, vector<16xf32>,
    %add3A_397 = arith.addf %broadcast_in_dim3A_1, %get3A_396 : vector<16xf32>
    %mul3A_398 = arith.constant 64 : i32
    %mul3A_399 = arith.muli %arg1, %mul3A_398 : i32
    %add3A_400 = arith.constant 0 : i32
    %add3A_401 = arith.addi %mul3A_399, %add3A_400 : i32
    %get3A_402 = arith.constant 1 : i32
    %get3A_403 = arith.index_cast %get3A_402 : i32 to index
    %get3A_404 = arith.index_cast %add3A_401 : i32 to index
    %get3A_405 = tpu.vector_load %arg8[%get3A_403, %get3A_404] {strides = array<i32>} : memref<16x1024xf32, #tpu.memory_space<vmem>>, vector<16xf32>,
    %add3A_406 = arith.addf %add3A_397, %get3A_405 : vector<16xf32>
    %mul3A_407 = arith.constant 64 : i32
    %mul3A_408 = arith.muli %arg1, %mul3A_407 : i32
    %add3A_409 = arith.constant 0 : i32
    %add3A_410 = arith.addi %mul3A_408, %add3A_409 : i32
    %get3A_411 = arith.constant 2 : i32
    %get3A_412 = arith.index_cast %get3A_411 : i32 to index
    %get3A_413 = arith.index_cast %add3A_410 : i32 to index
    %get3A_414 = tpu.vector_load %arg8[%get3A_412, %get3A_413] {strides = array<i32>} : memref<16x1024xf32, #tpu.memory_space<vmem>>, vector<16xf32>,
    %add3A_415 = arith.addf %add3A_406, %get3A_414 : vector<16xf32>
    %mul3A_416 = arith.constant 64 : i32
    %mul3A_417 = arith.muli %arg1, %mul3A_416 : i32
    %add3A_418 = arith.constant 0 : i32
    %add3A_419 = arith.addi %mul3A_417, %add3A_418 : i32
    %get3A_420 = arith.constant 3 : i32
    %get3A_421 = arith.index_cast %get3A_420 : i32 to index
    %get3A_422 = arith.index_cast %add3A_419 : i32 to index
    %get3A_423 = tpu.vector_load %arg8[%get3A_421, %get3A_422] {strides = array<i32>} : memref<16x1024xf32, #tpu.memory_space<vmem>>, vector<16xf32>,
    %add3A_424 = arith.addf %add3A_415, %get3A_423 : vector<16xf32>
    %mul3A_425 = arith.constant 64 : i32
    %mul3A_426 = arith.muli %arg1, %mul3A_425 : i32
    %add3A_427 = arith.constant 0 : i32
    %add3A_428 = arith.addi %mul3A_426, %add3A_427 : i32
    %get3A_429 = arith.constant 4 : i32
    %get3A_430 = arith.index_cast %get3A_429 : i32 to index
    %get3A_431 = arith.index_cast %add3A_428 : i32 to index
    %get3A_432 = tpu.vector_load %arg8[%get3A_430, %get3A_431] {strides = array<i32>} : memref<16x1024xf32, #tpu.memory_space<vmem>>, vector<16xf32>,
    %add3A_433 = arith.addf %add3A_424, %get3A_432 : vector<16xf32>
    %mul3A_434 = arith.constant 64 : i32
    %mul3A_435 = arith.muli %arg1, %mul3A_434 : i32
    %add3A_436 = arith.constant 0 : i32
    %add3A_437 = arith.addi %mul3A_435, %add3A_436 : i32
    %get3A_438 = arith.constant 5 : i32
    %get3A_439 = arith.index_cast %get3A_438 : i32 to index
    %get3A_440 = arith.index_cast %add3A_437 : i32 to index
    %get3A_441 = tpu.vector_load %arg8[%get3A_439, %get3A_440] {strides = array<i32>} : memref<16x1024xf32, #tpu.memory_space<vmem>>, vector<16xf32>,
    %add3A_442 = arith.addf %add3A_433, %get3A_441 : vector<16xf32>
    %mul3A_443 = arith.constant 64 : i32
    %mul3A_444 = arith.muli %arg1, %mul3A_443 : i32
    %add3A_445 = arith.constant 0 : i32
    %add3A_446 = arith.addi %mul3A_444, %add3A_445 : i32
    %get3A_447 = arith.constant 6 : i32
    %get3A_448 = arith.index_cast %get3A_447 : i32 to index
    %get3A_449 = arith.index_cast %add3A_446 : i32 to index
    %get3A_450 = tpu.vector_load %arg8[%get3A_448, %get3A_449] {strides = array<i32>} : memref<16x1024xf32, #tpu.memory_space<vmem>>, vector<16xf32>,
    %add3A_451 = arith.addf %add3A_442, %get3A_450 : vector<16xf32>
    %mul3A_452 = arith.constant 64 : i32
    %mul3A_453 = arith.muli %arg1, %mul3A_452 : i32
    %add3A_454 = arith.constant 0 : i32
    %add3A_455 = arith.addi %mul3A_453, %add3A_454 : i32
    %get3A_456 = arith.constant 7 : i32
    %get3A_457 = arith.index_cast %get3A_456 : i32 to index
    %get3A_458 = arith.index_cast %add3A_455 : i32 to index
    %get3A_459 = tpu.vector_load %arg8[%get3A_457, %get3A_458] {strides = array<i32>} : memref<16x1024xf32, #tpu.memory_space<vmem>>, vector<16xf32>,
    %add3A_460 = arith.addf %add3A_451, %get3A_459 : vector<16xf32>
    %mul3A_461 = arith.constant 64 : i32
    %mul3A_462 = arith.muli %arg1, %mul3A_461 : i32
    %add3A_463 = arith.constant 0 : i32
    %add3A_464 = arith.addi %mul3A_462, %add3A_463 : i32
    %get3A_465 = arith.constant 8 : i32
    %get3A_466 = arith.index_cast %get3A_465 : i32 to index
    %get3A_467 = arith.index_cast %add3A_464 : i32 to index
    %get3A_468 = tpu.vector_load %arg8[%get3A_466, %get3A_467] {strides = array<i32>} : memref<16x1024xf32, #tpu.memory_space<vmem>>, vector<16xf32>,
    %add3A_469 = arith.addf %add3A_460, %get3A_468 : vector<16xf32>
    %mul3A_470 = arith.constant 64 : i32
    %mul3A_471 = arith.muli %arg1, %mul3A_470 : i32
    %add3A_472 = arith.constant 0 : i32
    %add3A_473 = arith.addi %mul3A_471, %add3A_472 : i32
    %get3A_474 = arith.constant 9 : i32
    %get3A_475 = arith.index_cast %get3A_474 : i32 to index
    %get3A_476 = arith.index_cast %add3A_473 : i32 to index
    %get3A_477 = tpu.vector_load %arg8[%get3A_475, %get3A_476] {strides = array<i32>} : memref<16x1024xf32, #tpu.memory_space<vmem>>, vector<16xf32>,
    %add3A_478 = arith.addf %add3A_469, %get3A_477 : vector<16xf32>
    %mul3A_479 = arith.constant 64 : i32
    %mul3A_480 = arith.muli %arg1, %mul3A_479 : i32
    %add3A_481 = arith.constant 0 : i32
    %add3A_482 = arith.addi %mul3A_480, %add3A_481 : i32
    %get3A_483 = arith.constant 10 : i32
    %get3A_484 = arith.index_cast %get3A_483 : i32 to index
    %get3A_485 = arith.index_cast %add3A_482 : i32 to index
    %get3A_486 = tpu.vector_load %arg8[%get3A_484, %get3A_485] {strides = array<i32>} : memref<16x1024xf32, #tpu.memory_space<vmem>>, vector<16xf32>,
    %add3A_487 = arith.addf %add3A_478, %get3A_486 : vector<16xf32>
    %mul3A_488 = arith.constant 64 : i32
    %mul3A_489 = arith.muli %arg1, %mul3A_488 : i32
    %add3A_490 = arith.constant 0 : i32
    %add3A_491 = arith.addi %mul3A_489, %add3A_490 : i32
    %get3A_492 = arith.constant 11 : i32
    %get3A_493 = arith.index_cast %get3A_492 : i32 to index
    %get3A_494 = arith.index_cast %add3A_491 : i32 to index
    %get3A_495 = tpu.vector_load %arg8[%get3A_493, %get3A_494] {strides = array<i32>} : memref<16x1024xf32, #tpu.memory_space<vmem>>, vector<16xf32>,
    %add3A_496 = arith.addf %add3A_487, %get3A_495 : vector<16xf32>
    %mul3A_497 = arith.constant 64 : i32
    %mul3A_498 = arith.muli %arg1, %mul3A_497 : i32
    %add3A_499 = arith.constant 0 : i32
    %add3A_500 = arith.addi %mul3A_498, %add3A_499 : i32
    %get3A_501 = arith.constant 12 : i32
    %get3A_502 = arith.index_cast %get3A_501 : i32 to index
    %get3A_503 = arith.index_cast %add3A_500 : i32 to index
    %get3A_504 = tpu.vector_load %arg8[%get3A_502, %get3A_503] {strides = array<i32>} : memref<16x1024xf32, #tpu.memory_space<vmem>>, vector<16xf32>,
    %add3A_505 = arith.addf %add3A_496, %get3A_504 : vector<16xf32>
    %mul3A_506 = arith.constant 64 : i32
    %mul3A_507 = arith.muli %arg1, %mul3A_506 : i32
    %add3A_508 = arith.constant 0 : i32
    %add3A_509 = arith.addi %mul3A_507, %add3A_508 : i32
    %get3A_510 = arith.constant 13 : i32
    %get3A_511 = arith.index_cast %get3A_510 : i32 to index
    %get3A_512 = arith.index_cast %add3A_509 : i32 to index
    %get3A_513 = tpu.vector_load %arg8[%get3A_511, %get3A_512] {strides = array<i32>} : memref<16x1024xf32, #tpu.memory_space<vmem>>, vector<16xf32>,
    %add3A_514 = arith.addf %add3A_505, %get3A_513 : vector<16xf32>
    %mul3A_515 = arith.constant 64 : i32
    %mul3A_516 = arith.muli %arg1, %mul3A_515 : i32
    %add3A_517 = arith.constant 0 : i32
    %add3A_518 = arith.addi %mul3A_516, %add3A_517 : i32
    %get3A_519 = arith.constant 14 : i32
    %get3A_520 = arith.index_cast %get3A_519 : i32 to index
    %get3A_521 = arith.index_cast %add3A_518 : i32 to index
    %get3A_522 = tpu.vector_load %arg8[%get3A_520, %get3A_521] {strides = array<i32>} : memref<16x1024xf32, #tpu.memory_space<vmem>>, vector<16xf32>,
    %add3A_523 = arith.addf %add3A_514, %get3A_522 : vector<16xf32>
    %mul3A_524 = arith.constant 64 : i32
    %mul3A_525 = arith.muli %arg1, %mul3A_524 : i32
    %add3A_526 = arith.constant 0 : i32
    %add3A_527 = arith.addi %mul3A_525, %add3A_526 : i32
    %get3A_528 = arith.constant 15 : i32
    %get3A_529 = arith.index_cast %get3A_528 : i32 to index
    %get3A_530 = arith.index_cast %add3A_527 : i32 to index
    %get3A_531 = tpu.vector_load %arg8[%get3A_529, %get3A_530] {strides = array<i32>} : memref<16x1024xf32, #tpu.memory_space<vmem>>, vector<16xf32>,
    %add3A_532 = arith.addf %add3A_523, %get3A_531 : vector<16xf32>
    %swap3A_533 = arith.constant 0 : index
    %swap3A_534 = tpu.vector_load %arg9[%swap3A_533] {strides = array<i32>} : memref<64xf32, #tpu.memory_space<vmem>>, vector<16xf32>,
    tpu.vector_store %arg9[%swap3A_533], %add3A_532 {strides = array<i32>} : memref<64xf32, #tpu.memory_space<vmem>>, vector<16xf32>,
    %mul3A_535 = arith.constant 64 : i32
    %mul3A_536 = arith.muli %arg1, %mul3A_535 : i32
    %add3A_537 = arith.constant 16 : i32
    %add3A_538 = arith.addi %mul3A_536, %add3A_537 : i32
    %get3A_539 = arith.constant 0 : i32
    %get3A_540 = arith.index_cast %get3A_539 : i32 to index
    %get3A_541 = arith.index_cast %add3A_538 : i32 to index
    %get3A_542 = tpu.vector_load %arg8[%get3A_540, %get3A_541] {strides = array<i32>} : memref<16x1024xf32, #tpu.memory_space<vmem>>, vector<16xf32>,
    %add3A_543 = arith.addf %broadcast_in_dim3A_1, %get3A_542 : vector<16xf32>
    %mul3A_544 = arith.constant 64 : i32
    %mul3A_545 = arith.muli %arg1, %mul3A_544 : i32
    %add3A_546 = arith.constant 16 : i32
    %add3A_547 = arith.addi %mul3A_545, %add3A_546 : i32
    %get3A_548 = arith.constant 1 : i32
    %get3A_549 = arith.index_cast %get3A_548 : i32 to index
    %get3A_550 = arith.index_cast %add3A_547 : i32 to index
    %get3A_551 = tpu.vector_load %arg8[%get3A_549, %get3A_550] {strides = array<i32>} : memref<16x1024xf32, #tpu.memory_space<vmem>>, vector<16xf32>,
    %add3A_552 = arith.addf %add3A_543, %get3A_551 : vector<16xf32>
    %mul3A_553 = arith.constant 64 : i32
    %mul3A_554 = arith.muli %arg1, %mul3A_553 : i32
    %add3A_555 = arith.constant 16 : i32
    %add3A_556 = arith.addi %mul3A_554, %add3A_555 : i32
    %get3A_557 = arith.constant 2 : i32
    %get3A_558 = arith.index_cast %get3A_557 : i32 to index
    %get3A_559 = arith.index_cast %add3A_556 : i32 to index
    %get3A_560 = tpu.vector_load %arg8[%get3A_558, %get3A_559] {strides = array<i32>} : memref<16x1024xf32, #tpu.memory_space<vmem>>, vector<16xf32>,
    %add3A_561 = arith.addf %add3A_552, %get3A_560 : vector<16xf32>
    %mul3A_562 = arith.constant 64 : i32
    %mul3A_563 = arith.muli %arg1, %mul3A_562 : i32
    %add3A_564 = arith.constant 16 : i32
    %add3A_565 = arith.addi %mul3A_563, %add3A_564 : i32
    %get3A_566 = arith.constant 3 : i32
    %get3A_567 = arith.index_cast %get3A_566 : i32 to index
    %get3A_568 = arith.index_cast %add3A_565 : i32 to index
    %get3A_569 = tpu.vector_load %arg8[%get3A_567, %get3A_568] {strides = array<i32>} : memref<16x1024xf32, #tpu.memory_space<vmem>>, vector<16xf32>,
    %add3A_570 = arith.addf %add3A_561, %get3A_569 : vector<16xf32>
    %mul3A_571 = arith.constant 64 : i32
    %mul3A_572 = arith.muli %arg1, %mul3A_571 : i32
    %add3A_573 = arith.constant 16 : i32
    %add3A_574 = arith.addi %mul3A_572, %add3A_573 : i32
    %get3A_575 = arith.constant 4 : i32
    %get3A_576 = arith.index_cast %get3A_575 : i32 to index
    %get3A_577 = arith.index_cast %add3A_574 : i32 to index
    %get3A_578 = tpu.vector_load %arg8[%get3A_576, %get3A_577] {strides = array<i32>} : memref<16x1024xf32, #tpu.memory_space<vmem>>, vector<16xf32>,
    %add3A_579 = arith.addf %add3A_570, %get3A_578 : vector<16xf32>
    %mul3A_580 = arith.constant 64 : i32
    %mul3A_581 = arith.muli %arg1, %mul3A_580 : i32
    %add3A_582 = arith.constant 16 : i32
    %add3A_583 = arith.addi %mul3A_581, %add3A_582 : i32
    %get3A_584 = arith.constant 5 : i32
    %get3A_585 = arith.index_cast %get3A_584 : i32 to index
    %get3A_586 = arith.index_cast %add3A_583 : i32 to index
    %get3A_587 = tpu.vector_load %arg8[%get3A_585, %get3A_586] {strides = array<i32>} : memref<16x1024xf32, #tpu.memory_space<vmem>>, vector<16xf32>,
    %add3A_588 = arith.addf %add3A_579, %get3A_587 : vector<16xf32>
    %mul3A_589 = arith.constant 64 : i32
    %mul3A_590 = arith.muli %arg1, %mul3A_589 : i32
    %add3A_591 = arith.constant 16 : i32
    %add3A_592 = arith.addi %mul3A_590, %add3A_591 : i32
    %get3A_593 = arith.constant 6 : i32
    %get3A_594 = arith.index_cast %get3A_593 : i32 to index
    %get3A_595 = arith.index_cast %add3A_592 : i32 to index
    %get3A_596 = tpu.vector_load %arg8[%get3A_594, %get3A_595] {strides = array<i32>} : memref<16x1024xf32, #tpu.memory_space<vmem>>, vector<16xf32>,
    %add3A_597 = arith.addf %add3A_588, %get3A_596 : vector<16xf32>
    %mul3A_598 = arith.constant 64 : i32
    %mul3A_599 = arith.muli %arg1, %mul3A_598 : i32
    %add3A_600 = arith.constant 16 : i32
    %add3A_601 = arith.addi %mul3A_599, %add3A_600 : i32
    %get3A_602 = arith.constant 7 : i32
    %get3A_603 = arith.index_cast %get3A_602 : i32 to index
    %get3A_604 = arith.index_cast %add3A_601 : i32 to index
    %get3A_605 = tpu.vector_load %arg8[%get3A_603, %get3A_604] {strides = array<i32>} : memref<16x1024xf32, #tpu.memory_space<vmem>>, vector<16xf32>,
    %add3A_606 = arith.addf %add3A_597, %get3A_605 : vector<16xf32>
    %mul3A_607 = arith.constant 64 : i32
    %mul3A_608 = arith.muli %arg1, %mul3A_607 : i32
    %add3A_609 = arith.constant 16 : i32
    %add3A_610 = arith.addi %mul3A_608, %add3A_609 : i32
    %get3A_611 = arith.constant 8 : i32
    %get3A_612 = arith.index_cast %get3A_611 : i32 to index
    %get3A_613 = arith.index_cast %add3A_610 : i32 to index
    %get3A_614 = tpu.vector_load %arg8[%get3A_612, %get3A_613] {strides = array<i32>} : memref<16x1024xf32, #tpu.memory_space<vmem>>, vector<16xf32>,
    %add3A_615 = arith.addf %add3A_606, %get3A_614 : vector<16xf32>
    %mul3A_616 = arith.constant 64 : i32
    %mul3A_617 = arith.muli %arg1, %mul3A_616 : i32
    %add3A_618 = arith.constant 16 : i32
    %add3A_619 = arith.addi %mul3A_617, %add3A_618 : i32
    %get3A_620 = arith.constant 9 : i32
    %get3A_621 = arith.index_cast %get3A_620 : i32 to index
    %get3A_622 = arith.index_cast %add3A_619 : i32 to index
    %get3A_623 = tpu.vector_load %arg8[%get3A_621, %get3A_622] {strides = array<i32>} : memref<16x1024xf32, #tpu.memory_space<vmem>>, vector<16xf32>,
    %add3A_624 = arith.addf %add3A_615, %get3A_623 : vector<16xf32>
    %mul3A_625 = arith.constant 64 : i32
    %mul3A_626 = arith.muli %arg1, %mul3A_625 : i32
    %add3A_627 = arith.constant 16 : i32
    %add3A_628 = arith.addi %mul3A_626, %add3A_627 : i32
    %get3A_629 = arith.constant 10 : i32
    %get3A_630 = arith.index_cast %get3A_629 : i32 to index
    %get3A_631 = arith.index_cast %add3A_628 : i32 to index
    %get3A_632 = tpu.vector_load %arg8[%get3A_630, %get3A_631] {strides = array<i32>} : memref<16x1024xf32, #tpu.memory_space<vmem>>, vector<16xf32>,
    %add3A_633 = arith.addf %add3A_624, %get3A_632 : vector<16xf32>
    %mul3A_634 = arith.constant 64 : i32
    %mul3A_635 = arith.muli %arg1, %mul3A_634 : i32
    %add3A_636 = arith.constant 16 : i32
    %add3A_637 = arith.addi %mul3A_635, %add3A_636 : i32
    %get3A_638 = arith.constant 11 : i32
    %get3A_639 = arith.index_cast %get3A_638 : i32 to index
    %get3A_640 = arith.index_cast %add3A_637 : i32 to index
    %get3A_641 = tpu.vector_load %arg8[%get3A_639, %get3A_640] {strides = array<i32>} : memref<16x1024xf32, #tpu.memory_space<vmem>>, vector<16xf32>,
    %add3A_642 = arith.addf %add3A_633, %get3A_641 : vector<16xf32>
    %mul3A_643 = arith.constant 64 : i32
    %mul3A_644 = arith.muli %arg1, %mul3A_643 : i32
    %add3A_645 = arith.constant 16 : i32
    %add3A_646 = arith.addi %mul3A_644, %add3A_645 : i32
    %get3A_647 = arith.constant 12 : i32
    %get3A_648 = arith.index_cast %get3A_647 : i32 to index
    %get3A_649 = arith.index_cast %add3A_646 : i32 to index
    %get3A_650 = tpu.vector_load %arg8[%get3A_648, %get3A_649] {strides = array<i32>} : memref<16x1024xf32, #tpu.memory_space<vmem>>, vector<16xf32>,
    %add3A_651 = arith.addf %add3A_642, %get3A_650 : vector<16xf32>
    %mul3A_652 = arith.constant 64 : i32
    %mul3A_653 = arith.muli %arg1, %mul3A_652 : i32
    %add3A_654 = arith.constant 16 : i32
    %add3A_655 = arith.addi %mul3A_653, %add3A_654 : i32
    %get3A_656 = arith.constant 13 : i32
    %get3A_657 = arith.index_cast %get3A_656 : i32 to index
    %get3A_658 = arith.index_cast %add3A_655 : i32 to index
    %get3A_659 = tpu.vector_load %arg8[%get3A_657, %get3A_658] {strides = array<i32>} : memref<16x1024xf32, #tpu.memory_space<vmem>>, vector<16xf32>,
    %add3A_660 = arith.addf %add3A_651, %get3A_659 : vector<16xf32>
    %mul3A_661 = arith.constant 64 : i32
    %mul3A_662 = arith.muli %arg1, %mul3A_661 : i32
    %add3A_663 = arith.constant 16 : i32
    %add3A_664 = arith.addi %mul3A_662, %add3A_663 : i32
    %get3A_665 = arith.constant 14 : i32
    %get3A_666 = arith.index_cast %get3A_665 : i32 to index
    %get3A_667 = arith.index_cast %add3A_664 : i32 to index
    %get3A_668 = tpu.vector_load %arg8[%get3A_666, %get3A_667] {strides = array<i32>} : memref<16x1024xf32, #tpu.memory_space<vmem>>, vector<16xf32>,
    %add3A_669 = arith.addf %add3A_660, %get3A_668 : vector<16xf32>
    %mul3A_670 = arith.constant 64 : i32
    %mul3A_671 = arith.muli %arg1, %mul3A_670 : i32
    %add3A_672 = arith.constant 16 : i32
    %add3A_673 = arith.addi %mul3A_671, %add3A_672 : i32
    %get3A_674 = arith.constant 15 : i32
    %get3A_675 = arith.index_cast %get3A_674 : i32 to index
    %get3A_676 = arith.index_cast %add3A_673 : i32 to index
    %get3A_677 = tpu.vector_load %arg8[%get3A_675, %get3A_676] {strides = array<i32>} : memref<16x1024xf32, #tpu.memory_space<vmem>>, vector<16xf32>,
    %add3A_678 = arith.addf %add3A_669, %get3A_677 : vector<16xf32>
    %swap3A_679 = arith.constant 16 : index
    %swap3A_680 = tpu.vector_load %arg9[%swap3A_679] {strides = array<i32>} : memref<64xf32, #tpu.memory_space<vmem>>, vector<16xf32>,
    tpu.vector_store %arg9[%swap3A_679], %add3A_678 {strides = array<i32>} : memref<64xf32, #tpu.memory_space<vmem>>, vector<16xf32>,
    %mul3A_681 = arith.constant 64 : i32
    %mul3A_682 = arith.muli %arg1, %mul3A_681 : i32
    %add3A_683 = arith.constant 32 : i32
    %add3A_684 = arith.addi %mul3A_682, %add3A_683 : i32
    %get3A_685 = arith.constant 0 : i32
    %get3A_686 = arith.index_cast %get3A_685 : i32 to index
    %get3A_687 = arith.index_cast %add3A_684 : i32 to index
    %get3A_688 = tpu.vector_load %arg8[%get3A_686, %get3A_687] {strides = array<i32>} : memref<16x1024xf32, #tpu.memory_space<vmem>>, vector<16xf32>,
    %add3A_689 = arith.addf %broadcast_in_dim3A_1, %get3A_688 : vector<16xf32>
    %mul3A_690 = arith.constant 64 : i32
    %mul3A_691 = arith.muli %arg1, %mul3A_690 : i32
    %add3A_692 = arith.constant 32 : i32
    %add3A_693 = arith.addi %mul3A_691, %add3A_692 : i32
    %get3A_694 = arith.constant 1 : i32
    %get3A_695 = arith.index_cast %get3A_694 : i32 to index
    %get3A_696 = arith.index_cast %add3A_693 : i32 to index
    %get3A_697 = tpu.vector_load %arg8[%get3A_695, %get3A_696] {strides = array<i32>} : memref<16x1024xf32, #tpu.memory_space<vmem>>, vector<16xf32>,
    %add3A_698 = arith.addf %add3A_689, %get3A_697 : vector<16xf32>
    %mul3A_699 = arith.constant 64 : i32
    %mul3A_700 = arith.muli %arg1, %mul3A_699 : i32
    %add3A_701 = arith.constant 32 : i32
    %add3A_702 = arith.addi %mul3A_700, %add3A_701 : i32
    %get3A_703 = arith.constant 2 : i32
    %get3A_704 = arith.index_cast %get3A_703 : i32 to index
    %get3A_705 = arith.index_cast %add3A_702 : i32 to index
    %get3A_706 = tpu.vector_load %arg8[%get3A_704, %get3A_705] {strides = array<i32>} : memref<16x1024xf32, #tpu.memory_space<vmem>>, vector<16xf32>,
    %add3A_707 = arith.addf %add3A_698, %get3A_706 : vector<16xf32>
    %mul3A_708 = arith.constant 64 : i32
    %mul3A_709 = arith.muli %arg1, %mul3A_708 : i32
    %add3A_710 = arith.constant 32 : i32
    %add3A_711 = arith.addi %mul3A_709, %add3A_710 : i32
    %get3A_712 = arith.constant 3 : i32
    %get3A_713 = arith.index_cast %get3A_712 : i32 to index
    %get3A_714 = arith.index_cast %add3A_711 : i32 to index
    %get3A_715 = tpu.vector_load %arg8[%get3A_713, %get3A_714] {strides = array<i32>} : memref<16x1024xf32, #tpu.memory_space<vmem>>, vector<16xf32>,
    %add3A_716 = arith.addf %add3A_707, %get3A_715 : vector<16xf32>
    %mul3A_717 = arith.constant 64 : i32
    %mul3A_718 = arith.muli %arg1, %mul3A_717 : i32
    %add3A_719 = arith.constant 32 : i32
    %add3A_720 = arith.addi %mul3A_718, %add3A_719 : i32
    %get3A_721 = arith.constant 4 : i32
    %get3A_722 = arith.index_cast %get3A_721 : i32 to index
    %get3A_723 = arith.index_cast %add3A_720 : i32 to index
    %get3A_724 = tpu.vector_load %arg8[%get3A_722, %get3A_723] {strides = array<i32>} : memref<16x1024xf32, #tpu.memory_space<vmem>>, vector<16xf32>,
    %add3A_725 = arith.addf %add3A_716, %get3A_724 : vector<16xf32>
    %mul3A_726 = arith.constant 64 : i32
    %mul3A_727 = arith.muli %arg1, %mul3A_726 : i32
    %add3A_728 = arith.constant 32 : i32
    %add3A_729 = arith.addi %mul3A_727, %add3A_728 : i32
    %get3A_730 = arith.constant 5 : i32
    %get3A_731 = arith.index_cast %get3A_730 : i32 to index
    %get3A_732 = arith.index_cast %add3A_729 : i32 to index
    %get3A_733 = tpu.vector_load %arg8[%get3A_731, %get3A_732] {strides = array<i32>} : memref<16x1024xf32, #tpu.memory_space<vmem>>, vector<16xf32>,
    %add3A_734 = arith.addf %add3A_725, %get3A_733 : vector<16xf32>
    %mul3A_735 = arith.constant 64 : i32
    %mul3A_736 = arith.muli %arg1, %mul3A_735 : i32
    %add3A_737 = arith.constant 32 : i32
    %add3A_738 = arith.addi %mul3A_736, %add3A_737 : i32
    %get3A_739 = arith.constant 6 : i32
    %get3A_740 = arith.index_cast %get3A_739 : i32 to index
    %get3A_741 = arith.index_cast %add3A_738 : i32 to index
    %get3A_742 = tpu.vector_load %arg8[%get3A_740, %get3A_741] {strides = array<i32>} : memref<16x1024xf32, #tpu.memory_space<vmem>>, vector<16xf32>,
    %add3A_743 = arith.addf %add3A_734, %get3A_742 : vector<16xf32>
    %mul3A_744 = arith.constant 64 : i32
    %mul3A_745 = arith.muli %arg1, %mul3A_744 : i32
    %add3A_746 = arith.constant 32 : i32
    %add3A_747 = arith.addi %mul3A_745, %add3A_746 : i32
    %get3A_748 = arith.constant 7 : i32
    %get3A_749 = arith.index_cast %get3A_748 : i32 to index
    %get3A_750 = arith.index_cast %add3A_747 : i32 to index
    %get3A_751 = tpu.vector_load %arg8[%get3A_749, %get3A_750] {strides = array<i32>} : memref<16x1024xf32, #tpu.memory_space<vmem>>, vector<16xf32>,
    %add3A_752 = arith.addf %add3A_743, %get3A_751 : vector<16xf32>
    %mul3A_753 = arith.constant 64 : i32
    %mul3A_754 = arith.muli %arg1, %mul3A_753 : i32
    %add3A_755 = arith.constant 32 : i32
    %add3A_756 = arith.addi %mul3A_754, %add3A_755 : i32
    %get3A_757 = arith.constant 8 : i32
    %get3A_758 = arith.index_cast %get3A_757 : i32 to index
    %get3A_759 = arith.index_cast %add3A_756 : i32 to index
    %get3A_760 = tpu.vector_load %arg8[%get3A_758, %get3A_759] {strides = array<i32>} : memref<16x1024xf32, #tpu.memory_space<vmem>>, vector<16xf32>,
    %add3A_761 = arith.addf %add3A_752, %get3A_760 : vector<16xf32>
    %mul3A_762 = arith.constant 64 : i32
    %mul3A_763 = arith.muli %arg1, %mul3A_762 : i32
    %add3A_764 = arith.constant 32 : i32
    %add3A_765 = arith.addi %mul3A_763, %add3A_764 : i32
    %get3A_766 = arith.constant 9 : i32
    %get3A_767 = arith.index_cast %get3A_766 : i32 to index
    %get3A_768 = arith.index_cast %add3A_765 : i32 to index
    %get3A_769 = tpu.vector_load %arg8[%get3A_767, %get3A_768] {strides = array<i32>} : memref<16x1024xf32, #tpu.memory_space<vmem>>, vector<16xf32>,
    %add3A_770 = arith.addf %add3A_761, %get3A_769 : vector<16xf32>
    %mul3A_771 = arith.constant 64 : i32
    %mul3A_772 = arith.muli %arg1, %mul3A_771 : i32
    %add3A_773 = arith.constant 32 : i32
    %add3A_774 = arith.addi %mul3A_772, %add3A_773 : i32
    %get3A_775 = arith.constant 10 : i32
    %get3A_776 = arith.index_cast %get3A_775 : i32 to index
    %get3A_777 = arith.index_cast %add3A_774 : i32 to index
    %get3A_778 = tpu.vector_load %arg8[%get3A_776, %get3A_777] {strides = array<i32>} : memref<16x1024xf32, #tpu.memory_space<vmem>>, vector<16xf32>,
    %add3A_779 = arith.addf %add3A_770, %get3A_778 : vector<16xf32>
    %mul3A_780 = arith.constant 64 : i32
    %mul3A_781 = arith.muli %arg1, %mul3A_780 : i32
    %add3A_782 = arith.constant 32 : i32
    %add3A_783 = arith.addi %mul3A_781, %add3A_782 : i32
    %get3A_784 = arith.constant 11 : i32
    %get3A_785 = arith.index_cast %get3A_784 : i32 to index
    %get3A_786 = arith.index_cast %add3A_783 : i32 to index
    %get3A_787 = tpu.vector_load %arg8[%get3A_785, %get3A_786] {strides = array<i32>} : memref<16x1024xf32, #tpu.memory_space<vmem>>, vector<16xf32>,
    %add3A_788 = arith.addf %add3A_779, %get3A_787 : vector<16xf32>
    %mul3A_789 = arith.constant 64 : i32
    %mul3A_790 = arith.muli %arg1, %mul3A_789 : i32
    %add3A_791 = arith.constant 32 : i32
    %add3A_792 = arith.addi %mul3A_790, %add3A_791 : i32
    %get3A_793 = arith.constant 12 : i32
    %get3A_794 = arith.index_cast %get3A_793 : i32 to index
    %get3A_795 = arith.index_cast %add3A_792 : i32 to index
    %get3A_796 = tpu.vector_load %arg8[%get3A_794, %get3A_795] {strides = array<i32>} : memref<16x1024xf32, #tpu.memory_space<vmem>>, vector<16xf32>,
    %add3A_797 = arith.addf %add3A_788, %get3A_796 : vector<16xf32>
    %mul3A_798 = arith.constant 64 : i32
    %mul3A_799 = arith.muli %arg1, %mul3A_798 : i32
    %add3A_800 = arith.constant 32 : i32
    %add3A_801 = arith.addi %mul3A_799, %add3A_800 : i32
    %get3A_802 = arith.constant 13 : i32
    %get3A_803 = arith.index_cast %get3A_802 : i32 to index
    %get3A_804 = arith.index_cast %add3A_801 : i32 to index
    %get3A_805 = tpu.vector_load %arg8[%get3A_803, %get3A_804] {strides = array<i32>} : memref<16x1024xf32, #tpu.memory_space<vmem>>, vector<16xf32>,
    %add3A_806 = arith.addf %add3A_797, %get3A_805 : vector<16xf32>
    %mul3A_807 = arith.constant 64 : i32
    %mul3A_808 = arith.muli %arg1, %mul3A_807 : i32
    %add3A_809 = arith.constant 32 : i32
    %add3A_810 = arith.addi %mul3A_808, %add3A_809 : i32
    %get3A_811 = arith.constant 14 : i32
    %get3A_812 = arith.index_cast %get3A_811 : i32 to index
    %get3A_813 = arith.index_cast %add3A_810 : i32 to index
    %get3A_814 = tpu.vector_load %arg8[%get3A_812, %get3A_813] {strides = array<i32>} : memref<16x1024xf32, #tpu.memory_space<vmem>>, vector<16xf32>,
    %add3A_815 = arith.addf %add3A_806, %get3A_814 : vector<16xf32>
    %mul3A_816 = arith.constant 64 : i32
    %mul3A_817 = arith.muli %arg1, %mul3A_816 : i32
    %add3A_818 = arith.constant 32 : i32
    %add3A_819 = arith.addi %mul3A_817, %add3A_818 : i32
    %get3A_820 = arith.constant 15 : i32
    %get3A_821 = arith.index_cast %get3A_820 : i32 to index
    %get3A_822 = arith.index_cast %add3A_819 : i32 to index
    %get3A_823 = tpu.vector_load %arg8[%get3A_821, %get3A_822] {strides = array<i32>} : memref<16x1024xf32, #tpu.memory_space<vmem>>, vector<16xf32>,
    %add3A_824 = arith.addf %add3A_815, %get3A_823 : vector<16xf32>
    %swap3A_825 = arith.constant 32 : index
    %swap3A_826 = tpu.vector_load %arg9[%swap3A_825] {strides = array<i32>} : memref<64xf32, #tpu.memory_space<vmem>>, vector<16xf32>,
    tpu.vector_store %arg9[%swap3A_825], %add3A_824 {strides = array<i32>} : memref<64xf32, #tpu.memory_space<vmem>>, vector<16xf32>,
    %mul3A_827 = arith.constant 64 : i32
    %mul3A_828 = arith.muli %arg1, %mul3A_827 : i32
    %add3A_829 = arith.constant 48 : i32
    %add3A_830 = arith.addi %mul3A_828, %add3A_829 : i32
    %get3A_831 = arith.constant 0 : i32
    %get3A_832 = arith.index_cast %get3A_831 : i32 to index
    %get3A_833 = arith.index_cast %add3A_830 : i32 to index
    %get3A_834 = tpu.vector_load %arg8[%get3A_832, %get3A_833] {strides = array<i32>} : memref<16x1024xf32, #tpu.memory_space<vmem>>, vector<16xf32>,
    %add3A_835 = arith.addf %broadcast_in_dim3A_1, %get3A_834 : vector<16xf32>
    %mul3A_836 = arith.constant 64 : i32
    %mul3A_837 = arith.muli %arg1, %mul3A_836 : i32
    %add3A_838 = arith.constant 48 : i32
    %add3A_839 = arith.addi %mul3A_837, %add3A_838 : i32
    %get3A_840 = arith.constant 1 : i32
    %get3A_841 = arith.index_cast %get3A_840 : i32 to index
    %get3A_842 = arith.index_cast %add3A_839 : i32 to index
    %get3A_843 = tpu.vector_load %arg8[%get3A_841, %get3A_842] {strides = array<i32>} : memref<16x1024xf32, #tpu.memory_space<vmem>>, vector<16xf32>,
    %add3A_844 = arith.addf %add3A_835, %get3A_843 : vector<16xf32>
    %mul3A_845 = arith.constant 64 : i32
    %mul3A_846 = arith.muli %arg1, %mul3A_845 : i32
    %add3A_847 = arith.constant 48 : i32
    %add3A_848 = arith.addi %mul3A_846, %add3A_847 : i32
    %get3A_849 = arith.constant 2 : i32
    %get3A_850 = arith.index_cast %get3A_849 : i32 to index
    %get3A_851 = arith.index_cast %add3A_848 : i32 to index
    %get3A_852 = tpu.vector_load %arg8[%get3A_850, %get3A_851] {strides = array<i32>} : memref<16x1024xf32, #tpu.memory_space<vmem>>, vector<16xf32>,
    %add3A_853 = arith.addf %add3A_844, %get3A_852 : vector<16xf32>
    %mul3A_854 = arith.constant 64 : i32
    %mul3A_855 = arith.muli %arg1, %mul3A_854 : i32
    %add3A_856 = arith.constant 48 : i32
    %add3A_857 = arith.addi %mul3A_855, %add3A_856 : i32
    %get3A_858 = arith.constant 3 : i32
    %get3A_859 = arith.index_cast %get3A_858 : i32 to index
    %get3A_860 = arith.index_cast %add3A_857 : i32 to index
    %get3A_861 = tpu.vector_load %arg8[%get3A_859, %get3A_860] {strides = array<i32>} : memref<16x1024xf32, #tpu.memory_space<vmem>>, vector<16xf32>,
    %add3A_862 = arith.addf %add3A_853, %get3A_861 : vector<16xf32>
    %mul3A_863 = arith.constant 64 : i32
    %mul3A_864 = arith.muli %arg1, %mul3A_863 : i32
    %add3A_865 = arith.constant 48 : i32
    %add3A_866 = arith.addi %mul3A_864, %add3A_865 : i32
    %get3A_867 = arith.constant 4 : i32
    %get3A_868 = arith.index_cast %get3A_867 : i32 to index
    %get3A_869 = arith.index_cast %add3A_866 : i32 to index
    %get3A_870 = tpu.vector_load %arg8[%get3A_868, %get3A_869] {strides = array<i32>} : memref<16x1024xf32, #tpu.memory_space<vmem>>, vector<16xf32>,
    %add3A_871 = arith.addf %add3A_862, %get3A_870 : vector<16xf32>
    %mul3A_872 = arith.constant 64 : i32
    %mul3A_873 = arith.muli %arg1, %mul3A_872 : i32
    %add3A_874 = arith.constant 48 : i32
    %add3A_875 = arith.addi %mul3A_873, %add3A_874 : i32
    %get3A_876 = arith.constant 5 : i32
    %get3A_877 = arith.index_cast %get3A_876 : i32 to index
    %get3A_878 = arith.index_cast %add3A_875 : i32 to index
    %get3A_879 = tpu.vector_load %arg8[%get3A_877, %get3A_878] {strides = array<i32>} : memref<16x1024xf32, #tpu.memory_space<vmem>>, vector<16xf32>,
    %add3A_880 = arith.addf %add3A_871, %get3A_879 : vector<16xf32>
    %mul3A_881 = arith.constant 64 : i32
    %mul3A_882 = arith.muli %arg1, %mul3A_881 : i32
    %add3A_883 = arith.constant 48 : i32
    %add3A_884 = arith.addi %mul3A_882, %add3A_883 : i32
    %get3A_885 = arith.constant 6 : i32
    %get3A_886 = arith.index_cast %get3A_885 : i32 to index
    %get3A_887 = arith.index_cast %add3A_884 : i32 to index
    %get3A_888 = tpu.vector_load %arg8[%get3A_886, %get3A_887] {strides = array<i32>} : memref<16x1024xf32, #tpu.memory_space<vmem>>, vector<16xf32>,
    %add3A_889 = arith.addf %add3A_880, %get3A_888 : vector<16xf32>
    %mul3A_890 = arith.constant 64 : i32
    %mul3A_891 = arith.muli %arg1, %mul3A_890 : i32
    %add3A_892 = arith.constant 48 : i32
    %add3A_893 = arith.addi %mul3A_891, %add3A_892 : i32
    %get3A_894 = arith.constant 7 : i32
    %get3A_895 = arith.index_cast %get3A_894 : i32 to index
    %get3A_896 = arith.index_cast %add3A_893 : i32 to index
    %get3A_897 = tpu.vector_load %arg8[%get3A_895, %get3A_896] {strides = array<i32>} : memref<16x1024xf32, #tpu.memory_space<vmem>>, vector<16xf32>,
    %add3A_898 = arith.addf %add3A_889, %get3A_897 : vector<16xf32>
    %mul3A_899 = arith.constant 64 : i32
    %mul3A_900 = arith.muli %arg1, %mul3A_899 : i32
    %add3A_901 = arith.constant 48 : i32
    %add3A_902 = arith.addi %mul3A_900, %add3A_901 : i32
    %get3A_903 = arith.constant 8 : i32
    %get3A_904 = arith.index_cast %get3A_903 : i32 to index
    %get3A_905 = arith.index_cast %add3A_902 : i32 to index
    %get3A_906 = tpu.vector_load %arg8[%get3A_904, %get3A_905] {strides = array<i32>} : memref<16x1024xf32, #tpu.memory_space<vmem>>, vector<16xf32>,
    %add3A_907 = arith.addf %add3A_898, %get3A_906 : vector<16xf32>
    %mul3A_908 = arith.constant 64 : i32
    %mul3A_909 = arith.muli %arg1, %mul3A_908 : i32
    %add3A_910 = arith.constant 48 : i32
    %add3A_911 = arith.addi %mul3A_909, %add3A_910 : i32
    %get3A_912 = arith.constant 9 : i32
    %get3A_913 = arith.index_cast %get3A_912 : i32 to index
    %get3A_914 = arith.index_cast %add3A_911 : i32 to index
    %get3A_915 = tpu.vector_load %arg8[%get3A_913, %get3A_914] {strides = array<i32>} : memref<16x1024xf32, #tpu.memory_space<vmem>>, vector<16xf32>,
    %add3A_916 = arith.addf %add3A_907, %get3A_915 : vector<16xf32>
    %mul3A_917 = arith.constant 64 : i32
    %mul3A_918 = arith.muli %arg1, %mul3A_917 : i32
    %add3A_919 = arith.constant 48 : i32
    %add3A_920 = arith.addi %mul3A_918, %add3A_919 : i32
    %get3A_921 = arith.constant 10 : i32
    %get3A_922 = arith.index_cast %get3A_921 : i32 to index
    %get3A_923 = arith.index_cast %add3A_920 : i32 to index
    %get3A_924 = tpu.vector_load %arg8[%get3A_922, %get3A_923] {strides = array<i32>} : memref<16x1024xf32, #tpu.memory_space<vmem>>, vector<16xf32>,
    %add3A_925 = arith.addf %add3A_916, %get3A_924 : vector<16xf32>
    %mul3A_926 = arith.constant 64 : i32
    %mul3A_927 = arith.muli %arg1, %mul3A_926 : i32
    %add3A_928 = arith.constant 48 : i32
    %add3A_929 = arith.addi %mul3A_927, %add3A_928 : i32
    %get3A_930 = arith.constant 11 : i32
    %get3A_931 = arith.index_cast %get3A_930 : i32 to index
    %get3A_932 = arith.index_cast %add3A_929 : i32 to index
    %get3A_933 = tpu.vector_load %arg8[%get3A_931, %get3A_932] {strides = array<i32>} : memref<16x1024xf32, #tpu.memory_space<vmem>>, vector<16xf32>,
    %add3A_934 = arith.addf %add3A_925, %get3A_933 : vector<16xf32>
    %mul3A_935 = arith.constant 64 : i32
    %mul3A_936 = arith.muli %arg1, %mul3A_935 : i32
    %add3A_937 = arith.constant 48 : i32
    %add3A_938 = arith.addi %mul3A_936, %add3A_937 : i32
    %get3A_939 = arith.constant 12 : i32
    %get3A_940 = arith.index_cast %get3A_939 : i32 to index
    %get3A_941 = arith.index_cast %add3A_938 : i32 to index
    %get3A_942 = tpu.vector_load %arg8[%get3A_940, %get3A_941] {strides = array<i32>} : memref<16x1024xf32, #tpu.memory_space<vmem>>, vector<16xf32>,
    %add3A_943 = arith.addf %add3A_934, %get3A_942 : vector<16xf32>
    %mul3A_944 = arith.constant 64 : i32
    %mul3A_945 = arith.muli %arg1, %mul3A_944 : i32
    %add3A_946 = arith.constant 48 : i32
    %add3A_947 = arith.addi %mul3A_945, %add3A_946 : i32
    %get3A_948 = arith.constant 13 : i32
    %get3A_949 = arith.index_cast %get3A_948 : i32 to index
    %get3A_950 = arith.index_cast %add3A_947 : i32 to index
    %get3A_951 = tpu.vector_load %arg8[%get3A_949, %get3A_950] {strides = array<i32>} : memref<16x1024xf32, #tpu.memory_space<vmem>>, vector<16xf32>,
    %add3A_952 = arith.addf %add3A_943, %get3A_951 : vector<16xf32>
    %mul3A_953 = arith.constant 64 : i32
    %mul3A_954 = arith.muli %arg1, %mul3A_953 : i32
    %add3A_955 = arith.constant 48 : i32
    %add3A_956 = arith.addi %mul3A_954, %add3A_955 : i32
    %get3A_957 = arith.constant 14 : i32
    %get3A_958 = arith.index_cast %get3A_957 : i32 to index
    %get3A_959 = arith.index_cast %add3A_956 : i32 to index
    %get3A_960 = tpu.vector_load %arg8[%get3A_958, %get3A_959] {strides = array<i32>} : memref<16x1024xf32, #tpu.memory_space<vmem>>, vector<16xf32>,
    %add3A_961 = arith.addf %add3A_952, %get3A_960 : vector<16xf32>
    %mul3A_962 = arith.constant 64 : i32
    %mul3A_963 = arith.muli %arg1, %mul3A_962 : i32
    %add3A_964 = arith.constant 48 : i32
    %add3A_965 = arith.addi %mul3A_963, %add3A_964 : i32
    %get3A_966 = arith.constant 15 : i32
    %get3A_967 = arith.index_cast %get3A_966 : i32 to index
    %get3A_968 = arith.index_cast %add3A_965 : i32 to index
    %get3A_969 = tpu.vector_load %arg8[%get3A_967, %get3A_968] {strides = array<i32>} : memref<16x1024xf32, #tpu.memory_space<vmem>>, vector<16xf32>,
    %add3A_970 = arith.addf %add3A_961, %get3A_969 : vector<16xf32>
    %swap3A_971 = arith.constant 48 : index
    %swap3A_972 = tpu.vector_load %arg9[%swap3A_971] {strides = array<i32>} : memref<64xf32, #tpu.memory_space<vmem>>, vector<16xf32>,
    tpu.vector_store %arg9[%swap3A_971], %add3A_970 {strides = array<i32>} : memref<64xf32, #tpu.memory_space<vmem>>, vector<16xf32>,
    %mul3A_973 = arith.constant 1024 : i32
    %mul3A_974 = arith.muli %arg0, %mul3A_973 : i32
    %mul3A_975 = arith.constant 64 : i32
    %mul3A_976 = arith.muli %arg1, %mul3A_975 : i32
    %add3A_977 = arith.addi %mul3A_974, %mul3A_976 : i32
    "tpu.region"() ({
      %run_scoped3A = tpu.sem_alloc : memref<!tpu.dma_semaphore, #tpu.memory_space<semaphore_mem>>
      %dma_start3A = tpu.memref_slice %arg4[%add3A_977] : memref<2048xf32, #tpu.memory_space<hbm>> -> memref<64xf32, #tpu.memory_space<hbm>>
      %dma_start3A_978 = tpu.memref_slice %arg4[%add3A_977] : memref<2048xf32, #tpu.memory_space<hbm>> -> memref<64xf32, #tpu.memory_space<hbm>>
      tpu.enqueue_dma source(%arg9 : memref<64xf32, #tpu.memory_space<vmem>>) target(%dma_start3A_978 : memref<64xf32, #tpu.memory_space<hbm>>) target_semaphore(%run_scoped3A : memref<!tpu.dma_semaphore, #tpu.memory_space<semaphore_mem>>)
      %dma_wait3A = tpu.memref_slice %arg4[%add3A_977] : memref<2048xf32, #tpu.memory_space<hbm>> -> memref<64xf32, #tpu.memory_space<hbm>>
      %dma_wait3A_979 = tpu.memref_slice %arg4[%add3A_977] : memref<2048xf32, #tpu.memory_space<hbm>> -> memref<64xf32, #tpu.memory_space<hbm>>
      tpu.wait_dma2 semaphore(%run_scoped3A : memref<!tpu.dma_semaphore, #tpu.memory_space<semaphore_mem>>) src(%arg9 : memref<64xf32, #tpu.memory_space<vmem>>) dst(%dma_wait3A_979 : memref<64xf32, #tpu.memory_space<hbm>>)
      tpu.yield
    }) : () -> ()
    return
  }
}

module attributes {stable_mosaic.version = 14 : i64} {
  func.func @_entropy_body(%arg0: i32, %arg1: memref<2048x1000xf32, #tpu.memory_space<vmem>>, %arg2: memref<2048xf32, #tpu.memory_space<vmem>>) attributes {dimension_semantics = [#tpu.dimension_semantics<arbitrary>], iteration_bounds = array<i64: 8>, scalar_prefetch = 0 : i64, scratch_operands = 0 : i64, tpu.core_type = #tpu.core_type<tc>, window_params = [{transform_indices = @transform_0, window_bounds = array<i64: 2048, 1000>}, {transform_indices = @transform_1, window_bounds = array<i64: 2048>}]} {
    %get3A = arith.constant 0 : index
    %get3A_0 = arith.constant 0 : index
    %get3A_1 = vector.load %arg1[%get3A, %get3A_0] : memref<2048x1000xf32, #tpu.memory_space<vmem>>, vector<2048x1000xf32>
    %reduce_max3A = arith.constant dense<0xFF800000> : vector<2048xf32>
    %reduce_max3A_2 = vector.multi_reduction <maximumf>, %get3A_1, %reduce_max3A [1] : vector<2048x1000xf32> to vector<2048xf32>
    %broadcast_in_dim3A = vector.shape_cast %reduce_max3A_2 : vector<2048xf32> to vector<2048x1xf32>
    %sub3A = vector.broadcast %broadcast_in_dim3A : vector<2048x1xf32> to vector<2048x1000xf32>
    %sub3A_3 = arith.subf %get3A_1, %sub3A : vector<2048x1000xf32>
    %exp3A = math.exp %sub3A_3 : vector<2048x1000xf32>
    %reduce_sum3A = arith.constant dense<0.000000e+00> : vector<2048xf32>
    %reduce_sum3A_4 = vector.multi_reduction <add>, %exp3A, %reduce_sum3A [1] : vector<2048x1000xf32> to vector<2048xf32>
    %mul3A = arith.mulf %exp3A, %get3A_1 : vector<2048x1000xf32>
    %reduce_sum3A_5 = arith.constant dense<0.000000e+00> : vector<2048xf32>
    %reduce_sum3A_6 = vector.multi_reduction <add>, %mul3A, %reduce_sum3A_5 [1] : vector<2048x1000xf32> to vector<2048xf32>
    %squeeze3A = vector.shape_cast %broadcast_in_dim3A : vector<2048x1xf32> to vector<2048xf32>
    %log3A = math.log %reduce_sum3A_4 : vector<2048xf32>
    %add3A = arith.addf %squeeze3A, %log3A : vector<2048xf32>
    %div3A = arith.divf %reduce_sum3A_6, %reduce_sum3A_4 : vector<2048xf32>
    %sub3A_7 = arith.subf %add3A, %div3A : vector<2048xf32>
    %swap3A = arith.constant 0 : index
    %swap3A_8 = vector.load %arg2[%swap3A] : memref<2048xf32, #tpu.memory_space<vmem>>, vector<2048xf32>
    tpu.vector_store %arg2[%swap3A], %sub3A_7 {strides = array<i32>} : memref<2048xf32, #tpu.memory_space<vmem>>, vector<2048xf32>,
    return
  }
  func.func @transform_0(%arg0: i32) -> (i32, i32) {
    %c0_i32 = arith.constant 0 : i32
    %c0_i32_0 = arith.constant 0 : i32
    return %arg0, %c0_i32 : i32, i32
  }
  func.func @transform_1(%arg0: i32) -> i32 {
    %c0_i32 = arith.constant 0 : i32
    return %arg0 : i32
  }
}

</mosaic_0001>

<sc_bundles>
// kernel: kernel.4.cloned.1.call-start
scs
__scs_entry_jumppad:
0x0: {  	(pc) =	sbr.rel $0x88, $3  }
0x1: {  	(tag) =	ssettag $0x0;
	lr =	simm.s32 $0x1  }
0x2: {  	[smem:$0x3F9F] =	sst lr;
	_ =	strace $0xD0000000  }
0x3: {  	_ = 	snop  }
0x4: {  	_ = 	snop  }
0x5: {  	_ = 	snop  }
0x6: {  	_ = 	snop  }
0x7: {  	_ = 	snop  }
__scs_overlays_trampoline_lowered:
0x8: {  	[smem:$0x3FAE] =	sst s0  }
0x9: {  	[smem:$0x3FAF] =	sst s1  }
0xa: {  	[smem:$0x3FB0] =	sst s2  }
0xb: {  	[smem:$0x3FB1] =	sst s3  }
0xc: {  	[smem:$0x3FB2] =	sst s4  }
0xd: {  	[smem:$0x3FB3] =	sst s5  }
0xe: {  	[smem:$0x3FB4] =	sst s6  }
0xf: {  	[smem:$0x3FB5] =	sst s7  }
0x10: {  	[smem:$0x3FB6] =	sst s8  }
0x11: {  	[smem:$0x3FB7] =	sst s9;
	s0 =	simm.s32 @!p0 $0x0  }
0x12: {  	s1 =	sld [smem:$0x3F9D];
	s0 =	simm.s32 @p0 $0x1  }
0x13: {  	[smem:$0x3FB8] =	sst s0;
	s0 =	simm.s32 @!p1 $0x0  }
0x14: {  	s2 =	sld [smem:$0x3F9C];
	s0 =	simm.s32 @p1 $0x1  }
0x15: {  	[smem:$0x3FB9] =	sst s0;
	s0 =	simm.s32 @!p2 $0x0  }
0x16: {  	s3 =	sld [smem:$0x3FDB];
	s0 =	simm.s32 @p2 $0x1  }
0x17: {  	s4 =	simm.s32 $0x1BF5;
	[smem:$0x3FBB] =	sst s0  }
0x18: {  	s0 =	sld [smem:$0x3F9E];
	_ =	swait.ge [sflag:s4], $0x0  }
0x19: {  	s7 =	sld [smem:$0x3F9F]  }
0x1a: {  	s8 =	sadd.s32 $0xFFFFE003, lr  }
0x1b: {  	s9 =	sadd.s32 $0xFFFFFEF7, lr;
	s5 =	simm.s32 $0xFFFFFFFF;
	p2 =	slt.u32 s8, $0xFFFFF086  }
0x1c: {  	p1 =	slt.u32 s9, $0xF7A;
	s5 =	simm.s32 @!p2 $0x0  }
0x1d: {  	s5 =	simm.s32 @p1 $0x1;
	p0 =	seq.s32 s7, s2  }
0x1e: {  	s7 =	smul.u32 @!p0 $0xF7A, s2;
	p2 =	seq.s32 @!p0 s5, $0x0  }
0x1f: {  	s9 =	smul.u32 $0xF7A, s1;
	s8 =	simm.s32 @!p0 $0x1BF5;
	p2 =	por !p2, p0  }
0x20: {  	[sflag:s8] =	ssyncset.s32 @!p0 $0xFFFFF086;
	s6 =	sadd.s32 @!p0 s3, s7;
	s7 =	simm.s32 @!p0 $0x108  }
0x21: {  	s3 =	sadd.s32 s3, s9;
	s6 =	sadd.s32 @!p0 $0x88, s6;
	s7 =	simm.s32 @p2 $0x1082  }
0x22: {  	[simem:s7], [sflag:s8] =	dma.local @!p0 [hbm:s6], $0xF7A  }
0x23: {  	s9 =	sor.u32 $0xD0000000, s2;
	s6 =	simm.s32 $0x108;
	_ =	swait.ge @!p0 [sflag:s8], $0x0  }
0x24: {  	s3 =	sadd.s32 $0x88, s3;
	s6 =	simm.s32 @!p1 $0x1082;
	[sflag:s4] =	ssyncset.s32 $0xFFFFF086  }
0x25: {  	[simem:s6], [sflag:s4] =	dma.local [hbm:s3], $0xF7A  }
0x26: {  	[smem:$0x3F9F] =	sst s1;
	(tag) =	ssettag s2;
	_ =	strace s9  }
0x27: {  	s1 =	sld [smem:$0x3FAF]  }
0x28: {  	s2 =	sld [smem:$0x3FB0]  }
0x29: {  	s4 =	sld [smem:$0x3FB2]  }
0x2a: {  	p0 =	seq.s32 s5, $0x0;
	s5 =	sld [smem:$0x3FB3]  }
0x2b: {  	s6 =	sld [smem:$0x3FB4]  }
0x2c: {  	s7 =	sld [smem:$0x3FB5]  }
0x2d: {  	s3 =	simm.s32 $0x108;
	s8 =	sld [smem:$0x3FB6]  }
0x2e: {  	s3 =	simm.s32 @!p0 $0x1082;
	s9 =	sld [smem:$0x3FB7]  }
0x2f: {  	lr =	sadd.s32 s0, s3;
	s0 =	sld [smem:$0x3FAE]  }
0x30: {  	s3 =	sld [smem:$0x3FB1]  }
0x31: {  	[smem:$0x3FBA] =	sst s10  }
0x32: {  	s10 =	sld [smem:$0x3FB8];
	_ =	sdelay $0x3  }
0x33: {  	p0 =	seq.s32 s10, $0x1;
	s10 =	sld [smem:$0x3FBA];
	_ =	sdelay $0x3  }
0x34: {  	[smem:$0x3FBA] =	sst s10  }
0x35: {  	s10 =	sld [smem:$0x3FB9];
	_ =	sdelay $0x3  }
0x36: {  	p1 =	seq.s32 s10, $0x1;
	s10 =	sld [smem:$0x3FBA];
	_ =	sdelay $0x3  }
0x37: {  	[smem:$0x3FBA] =	sst s10  }
0x38: {  	s10 =	sld [smem:$0x3FBB]  }
0x39: {  	_ = 	snop;
	(pc) =	sbr.ind lr, $3  }
0x3a: {  	_ = 	snop  }
0x3b: {  	_ = 	snop  }
0x3c: {  	p2 =	seq.s32 s10, $0x1;
	s10 =	sld [smem:$0x3FBA]  }
0x3d: {  	_ =	shalt  }
0x3e: {  	_ =	shalt  }
0x3f: {  	_ =	shalt  }
0x40: {  	_ =	shalt  }
0x41: {  	_ =	shalt  }
0x42: {  	_ =	shalt  }
0x43: {  	_ =	shalt  }
0x44: {  	_ =	shalt  }
0x45: {  	_ =	shalt  }
0x46: {  	_ =	shalt  }
0x47: {  	_ =	shalt  }
0x48: {  	_ =	shalt  }
0x49: {  	_ =	shalt  }
0x4a: {  	_ =	shalt  }
0x4b: {  	_ =	shalt  }
0x4c: {  	_ =	shalt  }
0x4d: {  	_ =	shalt  }
0x4e: {  	_ =	shalt  }
0x4f: {  	_ =	shalt  }
0x50: {  	_ =	shalt  }
0x51: {  	_ =	shalt  }
0x52: {  	_ =	shalt  }
0x53: {  	_ =	shalt  }
0x54: {  	_ =	shalt  }
0x55: {  	_ =	shalt  }
0x56: {  	_ =	shalt  }
0x57: {  	_ =	shalt  }
0x58: {  	_ =	shalt  }
0x59: {  	_ =	shalt  }
0x5a: {  	_ =	shalt  }
0x5b: {  	_ =	shalt  }
0x5c: {  	_ =	shalt  }
0x5d: {  	_ =	shalt  }
0x5e: {  	_ =	shalt  }
0x5f: {  	_ =	shalt  }
0x60: {  	_ =	shalt  }
0x61: {  	_ =	shalt  }
0x62: {  	_ =	shalt  }
0x63: {  	_ =	shalt  }
0x64: {  	_ =	shalt  }
0x65: {  	_ =	shalt  }
0x66: {  	_ =	shalt  }
0x67: {  	_ =	shalt  }
0x68: {  	_ =	shalt  }
0x69: {  	_ =	shalt  }
0x6a: {  	_ =	shalt  }
0x6b: {  	_ =	shalt  }
0x6c: {  	_ =	shalt  }
0x6d: {  	_ =	shalt  }
0x6e: {  	_ =	shalt  }
0x6f: {  	_ =	shalt  }
0x70: {  	_ =	shalt  }
0x71: {  	_ =	shalt  }
0x72: {  	_ =	shalt  }
0x73: {  	_ =	shalt  }
0x74: {  	_ =	shalt  }
0x75: {  	_ =	shalt  }
0x76: {  	_ =	shalt  }
0x77: {  	_ =	shalt  }
0x78: {  	_ =	shalt  }
0x79: {  	_ =	shalt  }
0x7a: {  	_ =	shalt  }
0x7b: {  	_ =	shalt  }
0x7c: {  	_ =	shalt  }
0x7d: {  	_ =	shalt  }
0x7e: {  	_ =	shalt  }
0x7f: {  	_ =	shalt  }
0x80: {  	_ =	shalt  }
0x81: {  	_ =	shalt  }
0x82: {  	_ =	shalt  }
0x83: {  	_ =	shalt  }
0x84: {  	_ =	shalt  }
0x85: {  	_ =	shalt  }
0x86: {  	_ =	shalt  }
0x87: {  	_ =	shalt  }
.Lfunc_end0:
.L_simem_size_0:
called_computation_lowered:
.L_overlay_start_0:
0x88: {  	s2 =	sld [smem:$0x3FD9]  }
0x89: {  	s3 =	sld [smem:$0x3FFE];
	_ =	sdelay $0x1  }
0x8a: {  	s1 =	srdreg.scid  }
0x8b: {  	s0 =	sand.u32 $0x1, s1  }
0x8c: {  	s17 =	sshll.u32 s0, $0xA;
	s2 =	sadd.s32 s3, s2  }
0x8d: {  	s2 =	sadd.s32 s2, s17  }
0x8e: {  	[smem:$0x3FC6] =	sst s2  }
0x8f: {  	_ = 	snop  }
0x90: {  	s2 =	sld [smem:$0x3FC8];
	(tm) =	ssettm $0x1  }
0x91: {  	s18 =	sld [smem:$0x3FFB];
	_ =	sdelay $0x3  }
0x92: {  	_ =	strace s18  }
0x93: {  	s3 =	sld [smem:$0x3FFC];
	_ =	sdelay $0x3  }
0x94: {  	_ =	strace s3  }
0x95: {  	s3 =	sld [smem:$0x3FFD];
	_ =	sdelay $0x3  }
0x96: {  	_ =	strace s3  }
0x97: {  	_ =	strace $0x8FFFFFFF  }
0x98: {  	s19 =	sld [smem:$0x3FDB];
	_ =	sdelay $0x1  }
0x99: {  	s4 =	simm.s32 $_scs_section_size  }
0x9a: {  	s5 =	simm.s32 $_size__tile_overlayer_lowered;
	s6 =	simm.s32 $_tile_overlayer_lowered  }
0x9b: {  	s22 =	simm.s32 $0x1BFF;
	s21 =	sshll.u32 s6, $0x1;
	s3 =	sadd.s32 s4, s19  }
0x9c: {  	s7 =	simm.s32 $0x0;
	s20 =	sshll.u32 s5, $0x1;
	s5 =	sadd.s32 s21, s3  }
0x9d: {  	[timem:s7], [sflag:s22] =	dma.local [hbm:s5], s20  }
0x9e: {  	_ =	swait.ge [sflag:s22], s20  }
0x9f: {  	s4 =	ssub.s32 $0x0, s20;
	[sflag:s22] =	ssyncset.done $0x0  }
0xa0: {  	[sflag:s22] =	ssyncadd.s32 s4;
	_ =	sdelay $0x1  }
0xa1: {  	s23 =	simm.s32 $0x1B8B  }
0xa2: {  	_ =	swait.ge [sflag:s23], $0x1  }
0xa3: {  	[sflag:s23] =	ssyncset.done $0x0  }
0xa4: {  	s25 =	simm.s32 $0x1B8E;
	s24 =	sld [smem:$0x3FFE];
	[sflag:s23] =	ssyncadd.s32 $0xFFFFFFFF  }
0xa5: {  	s26 =	simm.s32 $execute0_lowered;
	[smem:$0x3FD2] =	sst s25  }
0xa6: {  	s5 =	sshll.u32 s26, $0x1;
	_ =	strace $0x80000046;
	[dreg:$0x1] =	wrdreg $0xFFFFFFFF  }
0xa7: {  	s28 =	simm.s32 $_size_execute0_lowered;
	s3 =	sadd.s32 s3, s5;
	[dreg:$0x0] =	wrdreg $0x0  }
0xa8: {  	s5 =	sshll.u32 s28, $0x1;
	[dreg:$0x2] =	wrdreg s3  }
0xa9: {  	[dreg:$0x3] =	wrdreg s5  }
0xaa: {  	[dreg:$0x4] =	wrdreg $0xC0  }
0xab: {  	_ =	task [dreg:s7], $0x5FFFF  }
0xac: {  	[dreg:$0x1] =	wrdreg $0xFFFFFFFF  }
0xad: {  	[dreg:$0x0] =	wrdreg $0x60  }
0xae: {  	[dreg:$0x2] =	wrdreg s24  }
0xaf: {  	[dreg:$0x3] =	wrdreg s2  }
0xb0: {  	[dreg:$0x4] =	wrdreg $0x4C800  }
0xb1: {  	[dreg:$0x5] =	wrdreg $0x9  }
0xb2: {  	_ =	task.clear_ibuf [dreg:s7], $0x6FFFF;
	_ =	strace $0x90000046  }
0xb3: {  	s29 =	simm.s32 $0x9;
	_ =	strace $0x80000048  }
0xb4: {  	_ =	swait.ge [sflag:s29], $0x1  }
0xb5: {  	[sflag:s29] =	ssyncadd.s32 $0xFFFFFFFF  }
0xb6: {  	_ =	strace $0x90000048  }
0xb7: {  	_ =	sfence  }
0xb8: {  	s30 =	sld [smem:$0x0];
	_ =	sdelay $0x2  }
0xb9: {  	s31 =	sshll.u32 s1, $0xD;
	s1 =	sshrl.u32 s1, $0x2  }
0xba: {  	s3 =	sand.u32 $0x4000, s31;
	s1 =	sadd.s32 s1, s30  }
0xbb: {  	s0 =	sor.u32 s3, s0;
	s1 =	sshll.u32 s1, $0x11  }
0xbc: {  	s0 =	sor.u32 s1, s0  }
0xbd: {  	s0 =	sadd.s32 $0x8F2B, s0  }
0xbe: {  	[sflag:s0] =	ssyncadd.remote.s32 $0x1  }
0xbf: {  	_ =	sfence.sel $0xFFFF  }
0xc0: {  	[dreg:$0x0] =	wrdreg $0xFFFFFFFF;
	(pc) =	sbr.abs _section_cstart, $3  }
0xc1: {  	[dreg:$0x1] =	wrdreg $0xFFFFFFFF  }
0xc2: {  	_ =	task.clear_ibuf [dreg:s7], $0x2FFFF;
	_ =	strace $0x9FFFFFFF  }
0xc3: {  	(tm) =	ssettm $0x7FFFFFFF  }
tec
execute0_lowered:
.L_overlay_start_1:
0x0: {  	(tag) =	ssettag $0x1  }
0x1: {  	s0 =	rddreg [dreg:$0x0]  }
0x2: {  	s1 =	rddreg [dreg:$0x1]  }
0x3: {  	s11 =	rddreg [dreg:$0x2];
	s2 =	simm.s32 $0x0;
	s3 =	srdreg.scid  }
0x4: {  	s10 =	stileid.u32;
	[smem:$0x7FF] =	sst s2;
	s4 =	sand.u32 $0x1, s3  }
0x5: {  	s5 =	sshll.u32 s10, $0x7;
	s6 =	sshll.u32 s10, $0x6;
	s9 =	sshll.u32 s10, $0xA  }
0x6: {  	s3 =	sshll.u32 s4, $0xA;
	s12 =	sadd.s32 s5, s0;
	s7 =	ssub.s32 $0x2, s4  }
0x7: {  	s19 =	sand.u32 $0x2000, s9;
	s20 =	sand.u32 $0x380, s5;
	s9 =	sshll.u32 s10, $0x9  }
0x8: {  	s1 =	sadd.s32 s1, s5;
	s3 =	sor.u32 s6, s3;
	s8 =	sshrl.u32 s7, $0x1  }
0x9: {  	[dreg:$0x4] =	wrdreg s1;
	s22 =	sand.u32 $0x1C00, s9;
	s6 =	sand.u32 $0x40, s6  }
0xa: {  	s3 =	sshrl.u32 s3, $0x3;
	s10 =	sadd.s32 $0x2C80, s22;
	s13 =	sadd.s32 $0x2D80, s22  }
0xb: {  	s15 =	sadd.s32 $0x2E00, s22;
	s16 =	sadd.s32 $0x2E80, s22;
	s14 =	sor.u32 $0x10, s6  }
0xc: {  	s17 =	sadd.s32 $0x2F00, s22;
	s0 =	sadd.s32 s3, s0;
	s24 =	sor.u32 s14, s10  }
0xd: {  	s3 =	ssub.s32 s7, s8;
	s26 =	sor.u32 s14, s13;
	[dreg:$0x7] =	wrdreg s24  }
0xe: {  	s7 =	sadd.s32 s19, s11;
	s19 =	sor.u32 s14, s15;
	[dreg:$0x9] =	wrdreg s26  }
0xf: {  	s8 =	sadd.s32 $0x2C00, s22;
	s21 =	sadd.s32 s20, s7;
	[dreg:$0xa] =	wrdreg s19  }
0x10: {  	s11 =	sadd.s32 $0x2D00, s22;
	s23 =	sor.u32 s14, s8;
	[dreg:$0x5] =	wrdreg s21  }
0x11: {  	s18 =	sadd.s32 $0x2F80, s22;
	s25 =	sor.u32 s14, s11;
	[dreg:$0x6] =	wrdreg s23  }
0x12: {  	s7 =	sadd.s32 $0xC00, s22;
	s22 =	sor.u32 s14, s17;
	[dreg:$0x8] =	wrdreg s25  }
0x13: {  	s24 =	sor.u32 s6, s8;
	[dreg:$0xc] =	wrdreg s22  }
0x14: {  	s26 =	sor.u32 s6, s11;
	[dreg:$0xe] =	wrdreg s24  }
0x15: {  	s21 =	sor.u32 s14, s16;
	[dreg:$0x10] =	wrdreg s26  }
0x16: {  	s23 =	sor.u32 s14, s18;
	[dreg:$0xb] =	wrdreg s21  }
0x17: {  	s25 =	sor.u32 s6, s10;
	[dreg:$0xd] =	wrdreg s23  }
0x18: {  	s22 =	sor.u32 s6, s15;
	[dreg:$0xf] =	wrdreg s25  }
0x19: {  	s1 =	sor.u32 $0x20, s6;
	s24 =	sor.u32 s6, s17;
	[dreg:$0x12] =	wrdreg s22  }
0x1a: {  	s26 =	sor.u32 s1, s8;
	[dreg:$0x14] =	wrdreg s24  }
0x1b: {  	p0 =	sne.s32 s4, $0x0;
	s21 =	sor.u32 s6, s13;
	[dreg:$0x16] =	wrdreg s26  }
0x1c: {  	s4 =	simm.s32 $0x800;
	s23 =	sor.u32 s6, s16;
	[dreg:$0x11] =	wrdreg s21  }
0x1d: {  	s20 =	sor.u32 s9, s14;
	s25 =	sor.u32 s6, s18;
	[dreg:$0x13] =	wrdreg s23  }
0x1e: {  	s19 =	sor.u32 s9, s6;
	s22 =	sor.u32 s1, s10;
	[dreg:$0x15] =	wrdreg s25  }
0x1f: {  	s31 =	sadd.s32 $0x1000, s0;
	s24 =	sor.u32 s1, s11;
	[dreg:$0x17] =	wrdreg s22  }
0x20: {  	s0 =	smax.u32 s3, $0x1;
	s26 =	sor.u32 s1, s13;
	[dreg:$0x18] =	wrdreg s24  }
0x21: {  	s3 =	simm.s32 $0x1;
	[dreg:$0x19] =	wrdreg s26;
	s22 =	sor.u32 s1, s15  }
0x22: {  	s5 =	sor.u32 s14, s7;
	s24 =	sor.u32 s1, s16;
	[dreg:$0x1a] =	wrdreg s22  }
0x23: {  	s23 =	sor.u32 s1, s7;
	s26 =	sor.u32 s1, s17;
	[dreg:$0x1b] =	wrdreg s24  }
0x24: {  	s25 =	sor.u32 s9, s1;
	s1 =	sor.u32 s1, s18;
	[dreg:$0x1c] =	wrdreg s26  }
0x25: {  	s14 =	sor.u32 s6, s7;
	s21 =	sor.u32 $0x30, s6;
	[dreg:$0x1d] =	wrdreg s1  }
0x26: {  	s1 =	sor.u32 s21, s7;
	s30 =	sor.u32 s9, s21;
	s9 =	sor.u32 s21, s8  }
0x27: {  	s10 =	sor.u32 s21, s10;
	s11 =	sor.u32 s21, s11;
	[dreg:$0x1e] =	wrdreg s9  }
0x28: {  	s22 =	sor.u32 s21, s13;
	s24 =	sor.u32 s21, s15;
	[dreg:$0x1f] =	wrdreg s10  }
0x29: {  	s26 =	sadd.s32 $0x800, s12;
	s12 =	sor.u32 $0x200, s19;
	[smem:$0x7FA] =	sst s11  }
0x2a: {  	s13 =	sor.u32 $0x280, s19;
	s15 =	sor.u32 $0x300, s19;
	[smem:$0x7FB] =	sst s22  }
0x2b: {  	s8 =	simm.s32 $0x80;
	[smem:$0x7FC] =	sst s24;
	s9 =	sor.u32 s21, s16  }
0x2c: {  	s10 =	sor.u32 s21, s17;
	s11 =	sor.u32 s21, s18;
	s16 =	sor.u32 $0x380, s19  }
.Ltmp0:
0x2d: {  	s17 =	sor.u32 $0x200, s20;
	s18 =	sor.u32 $0x280, s20;
	(pc) =	sbr.rel .LBB2_1-.Ltmp0, $4  }
0x2e: {  	s19 =	sor.u32 $0x300, s20;
	s20 =	sor.u32 $0x380, s20;
	s21 =	sor.u32 $0x200, s25  }
0x2f: {  	s22 =	sor.u32 $0x280, s25;
	s24 =	sor.u32 $0x300, s25;
	s25 =	sor.u32 $0x380, s25  }
0x30: {  	s28 =	sor.u32 $0x280, s30;
	s29 =	sor.u32 $0x300, s30;
	_ =	strace $0x80000047  }
0x31: {  	v0 =	vimm.f32 $0.0e+00;
	v1 =	vimm.f32 $1.000000000e+00;
	[smem:$0x7FD] =	sst s26;
	s26 =	sor.u32 $0x200, s30;
	s30 =	sor.u32 $0x380, s30  }
.LBB2_3:
0x32: {  	[tilespmem:$0x400] =	vst v1  }
0x33: {  	[tilespmem:$0x410] =	vst v1  }
0x34: {  	[tilespmem:$0x420] =	vst v1  }
0x35: {  	[tilespmem:$0x430] =	vst v1  }
0x36: {  	[tilespmem:$0x440] =	vst v1  }
0x37: {  	[tilespmem:$0x450] =	vst v1  }
0x38: {  	[tilespmem:$0x460] =	vst v1  }
0x39: {  	[tilespmem:$0x470] =	vst v1  }
0x3a: {  	[tilespmem:$0x480] =	vst v1  }
0x3b: {  	[tilespmem:$0x490] =	vst v1  }
0x3c: {  	[tilespmem:$0x4A0] =	vst v1  }
0x3d: {  	[tilespmem:$0x4B0] =	vst v1  }
0x3e: {  	[tilespmem:$0x4C0] =	vst v1  }
0x3f: {  	[tilespmem:$0x4D0] =	vst v1  }
0x40: {  	[tilespmem:$0x4E0] =	vst v1  }
0x41: {  	[tilespmem:$0x4F0] =	vst v1  }
0x42: {  	[tilespmem:$0x500] =	vst v1  }
0x43: {  	[tilespmem:$0x510] =	vst v1  }
0x44: {  	[tilespmem:$0x520] =	vst v1  }
0x45: {  	[tilespmem:$0x530] =	vst v1  }
0x46: {  	[tilespmem:$0x540] =	vst v1  }
0x47: {  	[tilespmem:$0x550] =	vst v1  }
0x48: {  	[tilespmem:$0x560] =	vst v1  }
0x49: {  	[tilespmem:$0x570] =	vst v1  }
0x4a: {  	[tilespmem:$0x580] =	vst v1  }
0x4b: {  	[tilespmem:$0x590] =	vst v1  }
0x4c: {  	[tilespmem:$0x5A0] =	vst v1  }
0x4d: {  	[tilespmem:$0x5B0] =	vst v1  }
0x4e: {  	[tilespmem:$0x5C0] =	vst v1  }
0x4f: {  	[tilespmem:$0x5D0] =	vst v1  }
0x50: {  	[tilespmem:$0x5E0] =	vst v1  }
0x51: {  	[tilespmem:$0x5F0] =	vst v1  }
0x52: {  	[tilespmem:$0x600] =	vst v1  }
0x53: {  	[tilespmem:$0x610] =	vst v1  }
0x54: {  	[tilespmem:$0x620] =	vst v1  }
0x55: {  	[tilespmem:$0x630] =	vst v1  }
0x56: {  	[tilespmem:$0x640] =	vst v1  }
0x57: {  	[tilespmem:$0x650] =	vst v1  }
0x58: {  	[tilespmem:$0x660] =	vst v1  }
0x59: {  	[tilespmem:$0x670] =	vst v1  }
0x5a: {  	[tilespmem:$0x680] =	vst v1  }
0x5b: {  	[tilespmem:$0x690] =	vst v1  }
0x5c: {  	[tilespmem:$0x6A0] =	vst v1  }
0x5d: {  	[tilespmem:$0x6B0] =	vst v1  }
0x5e: {  	[tilespmem:$0x6C0] =	vst v1  }
0x5f: {  	[tilespmem:$0x6D0] =	vst v1  }
0x60: {  	[tilespmem:$0x6E0] =	vst v1  }
0x61: {  	[tilespmem:$0x6F0] =	vst v1  }
0x62: {  	[tilespmem:$0x700] =	vst v1  }
0x63: {  	[tilespmem:$0x710] =	vst v1  }
0x64: {  	[tilespmem:$0x720] =	vst v1  }
0x65: {  	[tilespmem:$0x730] =	vst v1  }
0x66: {  	[tilespmem:$0x740] =	vst v1  }
0x67: {  	[tilespmem:$0x750] =	vst v1  }
0x68: {  	[tilespmem:$0x760] =	vst v1  }
0x69: {  	[tilespmem:$0x770] =	vst v1  }
0x6a: {  	[tilespmem:$0x780] =	vst v1  }
0x6b: {  	[tilespmem:$0x790] =	vst v1  }
0x6c: {  	[tilespmem:$0x7A0] =	vst v1  }
0x6d: {  	[tilespmem:$0x7B0] =	vst v1  }
0x6e: {  	[tilespmem:$0x7C0] =	vst v1  }
0x6f: {  	[tilespmem:$0x7D0] =	vst v1  }
0x70: {  	[tilespmem:$0x7E0] =	vst v1  }
0x71: {  	[tilespmem:$0x7F0] =	vst v1;
	s7 =	simm.s32 $0x400  }
.LBB2_4:
0x72: {  	v2 =	vld [tilespmem:$0x0];
	_ =	sdelay $0x2  }
0x73: {  	v3 =	vld [tilespmem:$0x400];
	_ =	sdelay $0x4  }
0x74: {  	[tilespmem:v2+s4+$0x0] =	vst.idx.add.f32.msk $0xffff, v3  }
0x75: {  	v2 =	vld [tilespmem:$0x10];
	_ =	sdelay $0x2  }
0x76: {  	v3 =	vld [tilespmem:$0x410];
	_ =	sdelay $0x4  }
0x77: {  	[tilespmem:v2+s4+$0x0] =	vst.idx.add.f32.msk $0xffff, v3  }
0x78: {  	v2 =	vld [tilespmem:$0x20];
	_ =	sdelay $0x2  }
0x79: {  	v3 =	vld [tilespmem:$0x420];
	_ =	sdelay $0x4  }
0x7a: {  	[tilespmem:v2+s4+$0x0] =	vst.idx.add.f32.msk $0xffff, v3  }
0x7b: {  	v2 =	vld [tilespmem:$0x30];
	_ =	sdelay $0x2  }
0x7c: {  	v3 =	vld [tilespmem:$0x430];
	_ =	sdelay $0x4  }
0x7d: {  	[tilespmem:v2+s4+$0x0] =	vst.idx.add.f32.msk $0xffff, v3  }
0x7e: {  	v2 =	vld [tilespmem:$0x40];
	_ =	sdelay $0x2  }
0x7f: {  	v3 =	vld [tilespmem:$0x440];
	_ =	sdelay $0x4  }
0x80: {  	[tilespmem:v2+s4+$0x0] =	vst.idx.add.f32.msk $0xffff, v3  }
0x81: {  	v2 =	vld [tilespmem:$0x50];
	_ =	sdelay $0x2  }
0x82: {  	v3 =	vld [tilespmem:$0x450];
	_ =	sdelay $0x4  }
0x83: {  	[tilespmem:v2+s4+$0x0] =	vst.idx.add.f32.msk $0xffff, v3  }
0x84: {  	v2 =	vld [tilespmem:$0x60];
	_ =	sdelay $0x2  }
0x85: {  	v3 =	vld [tilespmem:$0x460];
	_ =	sdelay $0x4  }
0x86: {  	[tilespmem:v2+s4+$0x0] =	vst.idx.add.f32.msk $0xffff, v3  }
0x87: {  	v2 =	vld [tilespmem:$0x70];
	_ =	sdelay $0x2  }
0x88: {  	v3 =	vld [tilespmem:$0x470];
	_ =	sdelay $0x4  }
0x89: {  	[tilespmem:v2+s4+$0x0] =	vst.idx.add.f32.msk $0xffff, v3  }
0x8a: {  	v2 =	vld [tilespmem:$0x80];
	_ =	sdelay $0x2  }
0x8b: {  	v3 =	vld [tilespmem:$0x480];
	_ =	sdelay $0x4  }
0x8c: {  	[tilespmem:v2+s4+$0x0] =	vst.idx.add.f32.msk $0xffff, v3  }
0x8d: {  	v2 =	vld [tilespmem:$0x90];
	_ =	sdelay $0x2  }
0x8e: {  	v3 =	vld [tilespmem:$0x490];
	_ =	sdelay $0x4  }
0x8f: {  	[tilespmem:v2+s4+$0x0] =	vst.idx.add.f32.msk $0xffff, v3  }
0x90: {  	v2 =	vld [tilespmem:$0xA0];
	_ =	sdelay $0x2  }
0x91: {  	v3 =	vld [tilespmem:$0x4A0];
	_ =	sdelay $0x4  }
0x92: {  	[tilespmem:v2+s4+$0x0] =	vst.idx.add.f32.msk $0xffff, v3  }
0x93: {  	v2 =	vld [tilespmem:$0xB0];
	_ =	sdelay $0x2  }
0x94: {  	v3 =	vld [tilespmem:$0x4B0];
	_ =	sdelay $0x4  }
0x95: {  	[tilespmem:v2+s4+$0x0] =	vst.idx.add.f32.msk $0xffff, v3  }
0x96: {  	v2 =	vld [tilespmem:$0xC0];
	_ =	sdelay $0x2  }
0x97: {  	v3 =	vld [tilespmem:$0x4C0];
	_ =	sdelay $0x4  }
0x98: {  	[tilespmem:v2+s4+$0x0] =	vst.idx.add.f32.msk $0xffff, v3  }
0x99: {  	v2 =	vld [tilespmem:$0xD0];
	_ =	sdelay $0x2  }
0x9a: {  	v3 =	vld [tilespmem:$0x4D0];
	_ =	sdelay $0x4  }
0x9b: {  	[tilespmem:v2+s4+$0x0] =	vst.idx.add.f32.msk $0xffff, v3  }
0x9c: {  	v2 =	vld [tilespmem:$0xE0];
	_ =	sdelay $0x2  }
0x9d: {  	v3 =	vld [tilespmem:$0x4E0];
	_ =	sdelay $0x4  }
0x9e: {  	[tilespmem:v2+s4+$0x0] =	vst.idx.add.f32.msk $0xffff, v3  }
0x9f: {  	v2 =	vld [tilespmem:$0xF0];
	_ =	sdelay $0x2  }
0xa0: {  	v3 =	vld [tilespmem:$0x4F0];
	_ =	sdelay $0x4  }
0xa1: {  	[tilespmem:v2+s4+$0x0] =	vst.idx.add.f32.msk $0xffff, v3  }
0xa2: {  	v2 =	vld [tilespmem:$0x100];
	_ =	sdelay $0x2  }
0xa3: {  	v3 =	vld [tilespmem:$0x500];
	_ =	sdelay $0x4  }
0xa4: {  	[tilespmem:v2+s4+$0x0] =	vst.idx.add.f32.msk $0xffff, v3  }
0xa5: {  	v2 =	vld [tilespmem:$0x110];
	_ =	sdelay $0x2  }
0xa6: {  	v3 =	vld [tilespmem:$0x510];
	_ =	sdelay $0x4  }
0xa7: {  	[tilespmem:v2+s4+$0x0] =	vst.idx.add.f32.msk $0xffff, v3  }
0xa8: {  	v2 =	vld [tilespmem:$0x120];
	_ =	sdelay $0x2  }
0xa9: {  	v3 =	vld [tilespmem:$0x520];
	_ =	sdelay $0x4  }
0xaa: {  	[tilespmem:v2+s4+$0x0] =	vst.idx.add.f32.msk $0xffff, v3  }
0xab: {  	v2 =	vld [tilespmem:$0x130];
	_ =	sdelay $0x2  }
0xac: {  	v3 =	vld [tilespmem:$0x530];
	_ =	sdelay $0x4  }
0xad: {  	[tilespmem:v2+s4+$0x0] =	vst.idx.add.f32.msk $0xffff, v3  }
0xae: {  	v2 =	vld [tilespmem:$0x140];
	_ =	sdelay $0x2  }
0xaf: {  	v3 =	vld [tilespmem:$0x540];
	_ =	sdelay $0x4  }
0xb0: {  	[tilespmem:v2+s4+$0x0] =	vst.idx.add.f32.msk $0xffff, v3  }
0xb1: {  	v2 =	vld [tilespmem:$0x150];
	_ =	sdelay $0x2  }
0xb2: {  	v3 =	vld [tilespmem:$0x550];
	_ =	sdelay $0x4  }
0xb3: {  	[tilespmem:v2+s4+$0x0] =	vst.idx.add.f32.msk $0xffff, v3  }
0xb4: {  	v2 =	vld [tilespmem:$0x160];
	_ =	sdelay $0x2  }
0xb5: {  	v3 =	vld [tilespmem:$0x560];
	_ =	sdelay $0x4  }
0xb6: {  	[tilespmem:v2+s4+$0x0] =	vst.idx.add.f32.msk $0xffff, v3  }
0xb7: {  	v2 =	vld [tilespmem:$0x170];
	_ =	sdelay $0x2  }
0xb8: {  	v3 =	vld [tilespmem:$0x570];
	_ =	sdelay $0x4  }
0xb9: {  	[tilespmem:v2+s4+$0x0] =	vst.idx.add.f32.msk $0xffff, v3  }
0xba: {  	v2 =	vld [tilespmem:$0x180];
	_ =	sdelay $0x2  }
0xbb: {  	v3 =	vld [tilespmem:$0x580];
	_ =	sdelay $0x4  }
0xbc: {  	[tilespmem:v2+s4+$0x0] =	vst.idx.add.f32.msk $0xffff, v3  }
0xbd: {  	v2 =	vld [tilespmem:$0x190];
	_ =	sdelay $0x2  }
0xbe: {  	v3 =	vld [tilespmem:$0x590];
	_ =	sdelay $0x4  }
0xbf: {  	[tilespmem:v2+s4+$0x0] =	vst.idx.add.f32.msk $0xffff, v3  }
0xc0: {  	v2 =	vld [tilespmem:$0x1A0];
	_ =	sdelay $0x2  }
0xc1: {  	v3 =	vld [tilespmem:$0x5A0];
	_ =	sdelay $0x4  }
0xc2: {  	[tilespmem:v2+s4+$0x0] =	vst.idx.add.f32.msk $0xffff, v3  }
0xc3: {  	v2 =	vld [tilespmem:$0x1B0];
	_ =	sdelay $0x2  }
0xc4: {  	v3 =	vld [tilespmem:$0x5B0];
	_ =	sdelay $0x4  }
0xc5: {  	[tilespmem:v2+s4+$0x0] =	vst.idx.add.f32.msk $0xffff, v3  }
0xc6: {  	v2 =	vld [tilespmem:$0x1C0];
	_ =	sdelay $0x2  }
0xc7: {  	v3 =	vld [tilespmem:$0x5C0];
	_ =	sdelay $0x4  }
0xc8: {  	[tilespmem:v2+s4+$0x0] =	vst.idx.add.f32.msk $0xffff, v3  }
0xc9: {  	v2 =	vld [tilespmem:$0x1D0];
	_ =	sdelay $0x2  }
0xca: {  	v3 =	vld [tilespmem:$0x5D0];
	_ =	sdelay $0x4  }
0xcb: {  	[tilespmem:v2+s4+$0x0] =	vst.idx.add.f32.msk $0xffff, v3  }
0xcc: {  	v2 =	vld [tilespmem:$0x1E0];
	_ =	sdelay $0x2  }
0xcd: {  	v3 =	vld [tilespmem:$0x5E0];
	_ =	sdelay $0x4  }
0xce: {  	[tilespmem:v2+s4+$0x0] =	vst.idx.add.f32.msk $0xffff, v3  }
0xcf: {  	v2 =	vld [tilespmem:$0x1F0];
	_ =	sdelay $0x2  }
0xd0: {  	v3 =	vld [tilespmem:$0x5F0];
	_ =	sdelay $0x4  }
0xd1: {  	[tilespmem:v2+s4+$0x0] =	vst.idx.add.f32.msk $0xffff, v3  }
0xd2: {  	v2 =	vld [tilespmem:$0x200];
	_ =	sdelay $0x2  }
0xd3: {  	v3 =	vld [tilespmem:$0x600];
	_ =	sdelay $0x4  }
0xd4: {  	[tilespmem:v2+s4+$0x0] =	vst.idx.add.f32.msk $0xffff, v3  }
0xd5: {  	v2 =	vld [tilespmem:$0x210];
	_ =	sdelay $0x2  }
0xd6: {  	v3 =	vld [tilespmem:$0x610];
	_ =	sdelay $0x4  }
0xd7: {  	[tilespmem:v2+s4+$0x0] =	vst.idx.add.f32.msk $0xffff, v3  }
0xd8: {  	v2 =	vld [tilespmem:$0x220];
	_ =	sdelay $0x2  }
0xd9: {  	v3 =	vld [tilespmem:$0x620];
	_ =	sdelay $0x4  }
0xda: {  	[tilespmem:v2+s4+$0x0] =	vst.idx.add.f32.msk $0xffff, v3  }
0xdb: {  	v2 =	vld [tilespmem:$0x230];
	_ =	sdelay $0x2  }
0xdc: {  	v3 =	vld [tilespmem:$0x630];
	_ =	sdelay $0x4  }
0xdd: {  	[tilespmem:v2+s4+$0x0] =	vst.idx.add.f32.msk $0xffff, v3  }
0xde: {  	v2 =	vld [tilespmem:$0x240];
	_ =	sdelay $0x2  }
0xdf: {  	v3 =	vld [tilespmem:$0x640];
	_ =	sdelay $0x4  }
0xe0: {  	[tilespmem:v2+s4+$0x0] =	vst.idx.add.f32.msk $0xffff, v3  }
0xe1: {  	v2 =	vld [tilespmem:$0x250];
	_ =	sdelay $0x2  }
0xe2: {  	v3 =	vld [tilespmem:$0x650];
	_ =	sdelay $0x4  }
0xe3: {  	[tilespmem:v2+s4+$0x0] =	vst.idx.add.f32.msk $0xffff, v3  }
0xe4: {  	v2 =	vld [tilespmem:$0x260];
	_ =	sdelay $0x2  }
0xe5: {  	v3 =	vld [tilespmem:$0x660];
	_ =	sdelay $0x4  }
0xe6: {  	[tilespmem:v2+s4+$0x0] =	vst.idx.add.f32.msk $0xffff, v3  }
0xe7: {  	v2 =	vld [tilespmem:$0x270];
	_ =	sdelay $0x2  }
0xe8: {  	v3 =	vld [tilespmem:$0x670];
	_ =	sdelay $0x4  }
0xe9: {  	[tilespmem:v2+s4+$0x0] =	vst.idx.add.f32.msk $0xffff, v3  }
0xea: {  	v2 =	vld [tilespmem:$0x280];
	_ =	sdelay $0x2  }
0xeb: {  	v3 =	vld [tilespmem:$0x680];
	_ =	sdelay $0x4  }
0xec: {  	[tilespmem:v2+s4+$0x0] =	vst.idx.add.f32.msk $0xffff, v3  }
0xed: {  	v2 =	vld [tilespmem:$0x290];
	_ =	sdelay $0x2  }
0xee: {  	v3 =	vld [tilespmem:$0x690];
	_ =	sdelay $0x4  }
0xef: {  	[tilespmem:v2+s4+$0x0] =	vst.idx.add.f32.msk $0xffff, v3  }
0xf0: {  	v2 =	vld [tilespmem:$0x2A0];
	_ =	sdelay $0x2  }
0xf1: {  	v3 =	vld [tilespmem:$0x6A0];
	_ =	sdelay $0x4  }
0xf2: {  	[tilespmem:v2+s4+$0x0] =	vst.idx.add.f32.msk $0xffff, v3  }
0xf3: {  	v2 =	vld [tilespmem:$0x2B0];
	_ =	sdelay $0x2  }
0xf4: {  	v3 =	vld [tilespmem:$0x6B0];
	_ =	sdelay $0x4  }
0xf5: {  	[tilespmem:v2+s4+$0x0] =	vst.idx.add.f32.msk $0xffff, v3  }
0xf6: {  	v2 =	vld [tilespmem:$0x2C0];
	_ =	sdelay $0x2  }
0xf7: {  	v3 =	vld [tilespmem:$0x6C0];
	_ =	sdelay $0x4  }
0xf8: {  	[tilespmem:v2+s4+$0x0] =	vst.idx.add.f32.msk $0xffff, v3  }
0xf9: {  	v2 =	vld [tilespmem:$0x2D0];
	_ =	sdelay $0x2  }
0xfa: {  	v3 =	vld [tilespmem:$0x6D0];
	_ =	sdelay $0x4  }
0xfb: {  	[tilespmem:v2+s4+$0x0] =	vst.idx.add.f32.msk $0xffff, v3  }
0xfc: {  	v2 =	vld [tilespmem:$0x2E0];
	_ =	sdelay $0x2  }
0xfd: {  	v3 =	vld [tilespmem:$0x6E0];
	_ =	sdelay $0x4  }
0xfe: {  	[tilespmem:v2+s4+$0x0] =	vst.idx.add.f32.msk $0xffff, v3  }
0xff: {  	v2 =	vld [tilespmem:$0x2F0];
	_ =	sdelay $0x2  }
0x100: {  	v3 =	vld [tilespmem:$0x6F0];
	_ =	sdelay $0x4  }
0x101: {  	[tilespmem:v2+s4+$0x0] =	vst.idx.add.f32.msk $0xffff, v3  }
0x102: {  	v2 =	vld [tilespmem:$0x300];
	_ =	sdelay $0x2  }
0x103: {  	v3 =	vld [tilespmem:$0x700];
	_ =	sdelay $0x4  }
0x104: {  	[tilespmem:v2+s4+$0x0] =	vst.idx.add.f32.msk $0xffff, v3  }
0x105: {  	v2 =	vld [tilespmem:$0x310];
	_ =	sdelay $0x2  }
0x106: {  	v3 =	vld [tilespmem:$0x710];
	_ =	sdelay $0x4  }
0x107: {  	[tilespmem:v2+s4+$0x0] =	vst.idx.add.f32.msk $0xffff, v3  }
0x108: {  	v2 =	vld [tilespmem:$0x320];
	_ =	sdelay $0x2  }
0x109: {  	v3 =	vld [tilespmem:$0x720];
	_ =	sdelay $0x4  }
0x10a: {  	[tilespmem:v2+s4+$0x0] =	vst.idx.add.f32.msk $0xffff, v3  }
0x10b: {  	v2 =	vld [tilespmem:$0x330];
	_ =	sdelay $0x2  }
0x10c: {  	v3 =	vld [tilespmem:$0x730];
	_ =	sdelay $0x4  }
0x10d: {  	[tilespmem:v2+s4+$0x0] =	vst.idx.add.f32.msk $0xffff, v3  }
0x10e: {  	v2 =	vld [tilespmem:$0x340];
	_ =	sdelay $0x2  }
0x10f: {  	v3 =	vld [tilespmem:$0x740];
	_ =	sdelay $0x4  }
0x110: {  	[tilespmem:v2+s4+$0x0] =	vst.idx.add.f32.msk $0xffff, v3  }
0x111: {  	v2 =	vld [tilespmem:$0x350];
	_ =	sdelay $0x2  }
0x112: {  	v3 =	vld [tilespmem:$0x750];
	_ =	sdelay $0x4  }
0x113: {  	[tilespmem:v2+s4+$0x0] =	vst.idx.add.f32.msk $0xffff, v3  }
0x114: {  	v2 =	vld [tilespmem:$0x360];
	_ =	sdelay $0x2  }
0x115: {  	v3 =	vld [tilespmem:$0x760];
	_ =	sdelay $0x4  }
0x116: {  	[tilespmem:v2+s4+$0x0] =	vst.idx.add.f32.msk $0xffff, v3  }
0x117: {  	v2 =	vld [tilespmem:$0x370];
	_ =	sdelay $0x2  }
0x118: {  	v3 =	vld [tilespmem:$0x770];
	_ =	sdelay $0x4  }
0x119: {  	[tilespmem:v2+s4+$0x0] =	vst.idx.add.f32.msk $0xffff, v3  }
0x11a: {  	v2 =	vld [tilespmem:$0x380];
	_ =	sdelay $0x2  }
0x11b: {  	v3 =	vld [tilespmem:$0x780];
	_ =	sdelay $0x4  }
0x11c: {  	[tilespmem:v2+s4+$0x0] =	vst.idx.add.f32.msk $0xffff, v3  }
0x11d: {  	v2 =	vld [tilespmem:$0x390];
	_ =	sdelay $0x2  }
0x11e: {  	v3 =	vld [tilespmem:$0x790];
	_ =	sdelay $0x4  }
0x11f: {  	[tilespmem:v2+s4+$0x0] =	vst.idx.add.f32.msk $0xffff, v3  }
0x120: {  	v2 =	vld [tilespmem:$0x3A0];
	_ =	sdelay $0x2  }
0x121: {  	v3 =	vld [tilespmem:$0x7A0];
	_ =	sdelay $0x4  }
0x122: {  	[tilespmem:v2+s4+$0x0] =	vst.idx.add.f32.msk $0xffff, v3  }
0x123: {  	v2 =	vld [tilespmem:$0x3B0];
	_ =	sdelay $0x2  }
0x124: {  	v3 =	vld [tilespmem:$0x7B0];
	_ =	sdelay $0x4  }
0x125: {  	[tilespmem:v2+s4+$0x0] =	vst.idx.add.f32.msk $0xffff, v3  }
0x126: {  	v2 =	vld [tilespmem:$0x3C0];
	_ =	sdelay $0x2  }
0x127: {  	v3 =	vld [tilespmem:$0x7C0];
	_ =	sdelay $0x4  }
0x128: {  	[tilespmem:v2+s4+$0x0] =	vst.idx.add.f32.msk $0xffff, v3  }
0x129: {  	v2 =	vld [tilespmem:$0x3D0];
	_ =	sdelay $0x2  }
0x12a: {  	v3 =	vld [tilespmem:$0x7D0];
	_ =	sdelay $0x4  }
0x12b: {  	[tilespmem:v2+s4+$0x0] =	vst.idx.add.f32.msk $0xffff, v3  }
0x12c: {  	v2 =	vld [tilespmem:$0x3E0];
	_ =	sdelay $0x2  }
0x12d: {  	v3 =	vld [tilespmem:$0x7E0];
	_ =	sdelay $0x4  }
0x12e: {  	[tilespmem:v2+s4+$0x0] =	vst.idx.add.f32.msk $0xffff, v3  }
0x12f: {  	v2 =	vld [tilespmem:$0x3F0];
	_ =	sdelay $0x2  }
0x130: {  	v3 =	vld [tilespmem:$0x7F0];
	_ =	sdelay $0x4  }
0x131: {  	s6 =	rddreg [dreg:$0x5];
	[tilespmem:v2+s4+$0x0] =	vst.idx.add.f32.msk $0xffff, v3  }
0x132: {  	[spmem:s6] =	stream.strided.scatter [tilespmem:s4], [sflag:$0x1], $0x400, s7, s8, $0x38;
	[tilespmem:$0x5080] =	vst v63  }
0x133: {  	_ =	swait.ge [sflag:s3], $0x400  }
0x134: {  	[sflag:s3] =	ssyncset.done $0x0  }
0x135: {  	[sflag:s3] =	ssyncadd.s32 $0xFFFFFC00  }
0x136: {  	[bflag:$0x0] =	sbarrier.arrive $0xFFFF  }
0x137: {  	s7 =	simm.s32 $0xC00;
	s6 =	rddreg [dreg:$0x2]  }
0x138: {  	[tilespmem:s7], [sflag:$0x1] =	stream.linear.gather [spmem:s6], $0x4000, $0x38;
	[tilespmem:$0x5080] =	vst v63  }
0x139: {  	_ =	swait.ge [sflag:s3], $0x4000  }
0x13a: {  	[sflag:s3] =	ssyncset.done $0x0  }
0x13b: {  	[sflag:s3] =	ssyncadd.s32 $0xFFFFC000  }
0x13c: {  	v2 =	vld [tilespmem:s14+$0x0];
	_ =	sdelay $0x1  }
0x13d: {  	v3 =	vld [tilespmem:s14+$0x80];
	_ =	sdelay $0x1  }
0x13e: {  	v4 =	vld [tilespmem:s14+$0x100]  }
0x13f: {  	v2 =	vadd.f32 $0.0e+00, v2  }
0x140: {  	v5 =	vld [tilespmem:s14+$0x180]  }
0x141: {  	v2 =	vadd.f32 v3, v2  }
0x142: {  	v3 =	vld [tilespmem:s12+$0xC00]  }
0x143: {  	v2 =	vadd.f32 v4, v2  }
0x144: {  	v26 =	vld [tilespmem:s13+$0xC00]  }
0x145: {  	v2 =	vadd.f32 v5, v2  }
0x146: {  	v27 =	vld [tilespmem:s15+$0xC00]  }
0x147: {  	v2 =	vadd.f32 v3, v2  }
0x148: {  	v3 =	vld [tilespmem:s16+$0xC00]  }
0x149: {  	s7 =	rddreg [dreg:$0xe];
	v2 =	vadd.f32 v26, v2  }
0x14a: {  	v28 =	vld [tilespmem:s7+$0x0]  }
0x14b: {  	s7 =	rddreg [dreg:$0xf];
	v2 =	vadd.f32 v27, v2  }
0x14c: {  	v29 =	vld [tilespmem:s7+$0x0]  }
0x14d: {  	s7 =	rddreg [dreg:$0x10];
	v2 =	vadd.f32 v3, v2  }
0x14e: {  	v3 =	vld [tilespmem:s7+$0x0]  }
0x14f: {  	s7 =	rddreg [dreg:$0x11];
	v2 =	vadd.f32 v28, v2  }
0x150: {  	v30 =	vld [tilespmem:s7+$0x0]  }
0x151: {  	s7 =	rddreg [dreg:$0x12];
	v2 =	vadd.f32 v29, v2  }
0x152: {  	v31 =	vld [tilespmem:s7+$0x0]  }
0x153: {  	s7 =	rddreg [dreg:$0x13];
	v2 =	vadd.f32 v3, v2  }
0x154: {  	v3 =	vld [tilespmem:s7+$0x0]  }
0x155: {  	s7 =	rddreg [dreg:$0x14];
	v2 =	vadd.f32 v30, v2  }
0x156: {  	v32 =	vld [tilespmem:s7+$0x0]  }
0x157: {  	s7 =	rddreg [dreg:$0x15];
	v2 =	vadd.f32 v31, v2  }
0x158: {  	v33 =	vld [tilespmem:s7+$0x0]  }
0x159: {  	v2 =	vadd.f32 v3, v2;
	_ =	sdelay $0x1  }
0x15a: {  	v2 =	vadd.f32 v32, v2;
	_ =	sdelay $0x1  }
0x15b: {  	v2 =	vadd.f32 v33, v2;
	_ =	sdelay $0x1  }
0x15c: {  	[tilespmem:$0x4C00] =	vst v2  }
0x15d: {  	v2 =	vld [tilespmem:s5+$0x0];
	_ =	sdelay $0x1  }
0x15e: {  	v3 =	vld [tilespmem:s5+$0x80];
	_ =	sdelay $0x1  }
0x15f: {  	v34 =	vld [tilespmem:s5+$0x100]  }
0x160: {  	v2 =	vadd.f32 $0.0e+00, v2  }
0x161: {  	v35 =	vld [tilespmem:s5+$0x180]  }
0x162: {  	v2 =	vadd.f32 v3, v2  }
0x163: {  	v3 =	vld [tilespmem:s17+$0xC00]  }
0x164: {  	v2 =	vadd.f32 v34, v2  }
0x165: {  	v36 =	vld [tilespmem:s18+$0xC00]  }
0x166: {  	v2 =	vadd.f32 v35, v2  }
0x167: {  	v37 =	vld [tilespmem:s19+$0xC00]  }
0x168: {  	v2 =	vadd.f32 v3, v2  }
0x169: {  	v3 =	vld [tilespmem:s20+$0xC00]  }
0x16a: {  	s7 =	rddreg [dreg:$0x6];
	v2 =	vadd.f32 v36, v2  }
0x16b: {  	v38 =	vld [tilespmem:s7+$0x0]  }
0x16c: {  	s7 =	rddreg [dreg:$0x7];
	v2 =	vadd.f32 v37, v2  }
0x16d: {  	v39 =	vld [tilespmem:s7+$0x0]  }
0x16e: {  	s7 =	rddreg [dreg:$0x8];
	v2 =	vadd.f32 v3, v2  }
0x16f: {  	v3 =	vld [tilespmem:s7+$0x0]  }
0x170: {  	s7 =	rddreg [dreg:$0x9];
	v2 =	vadd.f32 v38, v2  }
0x171: {  	v40 =	vld [tilespmem:s7+$0x0]  }
0x172: {  	s7 =	rddreg [dreg:$0xa];
	v2 =	vadd.f32 v39, v2  }
0x173: {  	v41 =	vld [tilespmem:s7+$0x0]  }
0x174: {  	s7 =	rddreg [dreg:$0xb];
	v2 =	vadd.f32 v3, v2  }
0x175: {  	v3 =	vld [tilespmem:s7+$0x0]  }
0x176: {  	s7 =	rddreg [dreg:$0xc];
	v2 =	vadd.f32 v40, v2  }
0x177: {  	v42 =	vld [tilespmem:s7+$0x0]  }
0x178: {  	s7 =	rddreg [dreg:$0xd];
	v2 =	vadd.f32 v41, v2  }
0x179: {  	v43 =	vld [tilespmem:s7+$0x0]  }
0x17a: {  	v2 =	vadd.f32 v3, v2;
	_ =	sdelay $0x1  }
0x17b: {  	v2 =	vadd.f32 v42, v2;
	_ =	sdelay $0x1  }
0x17c: {  	v2 =	vadd.f32 v43, v2;
	_ =	sdelay $0x1  }
0x17d: {  	[tilespmem:$0x4C10] =	vst v2  }
0x17e: {  	v2 =	vld [tilespmem:s23+$0x0];
	_ =	sdelay $0x1  }
0x17f: {  	v3 =	vld [tilespmem:s23+$0x80];
	_ =	sdelay $0x1  }
0x180: {  	v44 =	vld [tilespmem:s23+$0x100]  }
0x181: {  	v2 =	vadd.f32 $0.0e+00, v2  }
0x182: {  	v45 =	vld [tilespmem:s23+$0x180]  }
0x183: {  	v2 =	vadd.f32 v3, v2  }
0x184: {  	v3 =	vld [tilespmem:s21+$0xC00]  }
0x185: {  	v2 =	vadd.f32 v44, v2  }
0x186: {  	v46 =	vld [tilespmem:s22+$0xC00]  }
0x187: {  	v2 =	vadd.f32 v45, v2  }
0x188: {  	v47 =	vld [tilespmem:s24+$0xC00]  }
0x189: {  	v2 =	vadd.f32 v3, v2  }
0x18a: {  	v3 =	vld [tilespmem:s25+$0xC00]  }
0x18b: {  	s7 =	rddreg [dreg:$0x16];
	v2 =	vadd.f32 v46, v2  }
0x18c: {  	v48 =	vld [tilespmem:s7+$0x0]  }
0x18d: {  	s7 =	rddreg [dreg:$0x17];
	v2 =	vadd.f32 v47, v2  }
0x18e: {  	v49 =	vld [tilespmem:s7+$0x0]  }
0x18f: {  	s7 =	rddreg [dreg:$0x18];
	v2 =	vadd.f32 v3, v2  }
0x190: {  	v3 =	vld [tilespmem:s7+$0x0]  }
0x191: {  	s7 =	rddreg [dreg:$0x19];
	v2 =	vadd.f32 v48, v2  }
0x192: {  	v50 =	vld [tilespmem:s7+$0x0]  }
0x193: {  	s7 =	rddreg [dreg:$0x1a];
	v2 =	vadd.f32 v49, v2  }
0x194: {  	v51 =	vld [tilespmem:s7+$0x0]  }
0x195: {  	s7 =	rddreg [dreg:$0x1b];
	v2 =	vadd.f32 v3, v2  }
0x196: {  	v3 =	vld [tilespmem:s7+$0x0]  }
0x197: {  	s7 =	rddreg [dreg:$0x1c];
	v2 =	vadd.f32 v50, v2  }
0x198: {  	v52 =	vld [tilespmem:s7+$0x0]  }
0x199: {  	s7 =	rddreg [dreg:$0x1d];
	v2 =	vadd.f32 v51, v2  }
0x19a: {  	v53 =	vld [tilespmem:s7+$0x0]  }
0x19b: {  	v2 =	vadd.f32 v3, v2;
	_ =	sdelay $0x1  }
0x19c: {  	v2 =	vadd.f32 v52, v2;
	_ =	sdelay $0x1  }
0x19d: {  	v2 =	vadd.f32 v53, v2;
	_ =	sdelay $0x1  }
0x19e: {  	[tilespmem:$0x4C20] =	vst v2  }
0x19f: {  	v2 =	vld [tilespmem:s1+$0x0];
	_ =	sdelay $0x1  }
0x1a0: {  	v3 =	vld [tilespmem:s1+$0x80];
	_ =	sdelay $0x1  }
0x1a1: {  	v54 =	vld [tilespmem:s1+$0x100]  }
0x1a2: {  	v2 =	vadd.f32 $0.0e+00, v2  }
0x1a3: {  	v55 =	vld [tilespmem:s1+$0x180]  }
0x1a4: {  	v2 =	vadd.f32 v3, v2  }
0x1a5: {  	v3 =	vld [tilespmem:s26+$0xC00]  }
0x1a6: {  	v2 =	vadd.f32 v54, v2  }
0x1a7: {  	v56 =	vld [tilespmem:s28+$0xC00]  }
0x1a8: {  	v2 =	vadd.f32 v55, v2  }
0x1a9: {  	v57 =	vld [tilespmem:s29+$0xC00]  }
0x1aa: {  	v2 =	vadd.f32 v3, v2  }
0x1ab: {  	s7 =	rddreg [dreg:$0x1e];
	v3 =	vld [tilespmem:s30+$0xC00]  }
0x1ac: {  	v58 =	vld [tilespmem:s7+$0x0];
	s7 =	rddreg [dreg:$0x1f];
	v2 =	vadd.f32 v56, v2  }
0x1ad: {  	v59 =	vld [tilespmem:s7+$0x0];
	s7 =	sld [smem:$0x7FA]  }
0x1ae: {  	v2 =	vadd.f32 v57, v2;
	_ =	sdelay $0x1  }
0x1af: {  	v2 =	vadd.f32 v3, v2;
	v3 =	vld [tilespmem:s7+$0x0];
	s7 =	sld [smem:$0x7FB];
	_ =	sdelay $0x2  }
0x1b0: {  	v2 =	vadd.f32 v58, v2;
	v60 =	vld [tilespmem:s7+$0x0];
	s7 =	sld [smem:$0x7FC];
	_ =	sdelay $0x1  }
0x1b1: {  	v2 =	vadd.f32 v59, v2  }
0x1b2: {  	v61 =	vld [tilespmem:s7+$0x0]  }
0x1b3: {  	v2 =	vadd.f32 v3, v2  }
0x1b4: {  	v3 =	vld [tilespmem:s9+$0x0]  }
0x1b5: {  	v2 =	vadd.f32 v60, v2  }
0x1b6: {  	v62 =	vld [tilespmem:s10+$0x0]  }
0x1b7: {  	v2 =	vadd.f32 v61, v2  }
0x1b8: {  	v63 =	vld [tilespmem:s11+$0x0]  }
0x1b9: {  	v2 =	vadd.f32 v3, v2;
	_ =	sdelay $0x1  }
0x1ba: {  	v2 =	vadd.f32 v62, v2;
	_ =	sdelay $0x1  }
0x1bb: {  	s0 =	sadd.s32 $0xFFFFFFFF, s0;
	v2 =	vadd.f32 v63, v2  }
0x1bc: {  	p1 =	sne.s32 s0, $0x0  }
.Ltmp1:
0x1bd: {  	s7 =	simm.s32 $0x4C00;
	[tilespmem:$0x4C30] =	vst v2;
	(pc) =	sbr.rel @!p1 .LBB2_5-.Ltmp1, $4  }
0x1be: {  	[hbm4b:s31+s2] =	stream.linear.scatter [tilespmem:s7], [sflag:$0x1], $0x40, $0x38;
	[tilespmem:$0x5080] =	vst v63  }
0x1bf: {  	_ =	swait.ge [sflag:s3], $0x40  }
0x1c0: {  	[sflag:s3] =	ssyncset.done $0x0  }
0x1c1: {  	[sflag:s3] =	ssyncadd.s32 $0xFFFFFFC0  }
.LBB2_1:
0x1c2: {  	[tilespmem:$0x800] =	vst v0  }
0x1c3: {  	[tilespmem:$0x810] =	vst v0  }
0x1c4: {  	[tilespmem:$0x820] =	vst v0  }
0x1c5: {  	[tilespmem:$0x830] =	vst v0  }
0x1c6: {  	[tilespmem:$0x840] =	vst v0  }
0x1c7: {  	[tilespmem:$0x850] =	vst v0  }
0x1c8: {  	[tilespmem:$0x860] =	vst v0  }
0x1c9: {  	[tilespmem:$0x870] =	vst v0  }
0x1ca: {  	[tilespmem:$0x880] =	vst v0  }
0x1cb: {  	[tilespmem:$0x890] =	vst v0  }
0x1cc: {  	[tilespmem:$0x8A0] =	vst v0  }
0x1cd: {  	[tilespmem:$0x8B0] =	vst v0  }
0x1ce: {  	[tilespmem:$0x8C0] =	vst v0  }
0x1cf: {  	[tilespmem:$0x8D0] =	vst v0  }
0x1d0: {  	[tilespmem:$0x8E0] =	vst v0  }
0x1d1: {  	[tilespmem:$0x8F0] =	vst v0  }
0x1d2: {  	[tilespmem:$0x900] =	vst v0  }
0x1d3: {  	[tilespmem:$0x910] =	vst v0  }
0x1d4: {  	[tilespmem:$0x920] =	vst v0  }
0x1d5: {  	[tilespmem:$0x930] =	vst v0  }
0x1d6: {  	[tilespmem:$0x940] =	vst v0  }
0x1d7: {  	[tilespmem:$0x950] =	vst v0  }
0x1d8: {  	[tilespmem:$0x960] =	vst v0  }
0x1d9: {  	[tilespmem:$0x970] =	vst v0  }
0x1da: {  	[tilespmem:$0x980] =	vst v0  }
0x1db: {  	[tilespmem:$0x990] =	vst v0  }
0x1dc: {  	[tilespmem:$0x9A0] =	vst v0  }
0x1dd: {  	[tilespmem:$0x9B0] =	vst v0  }
0x1de: {  	[tilespmem:$0x9C0] =	vst v0  }
0x1df: {  	[tilespmem:$0x9D0] =	vst v0  }
0x1e0: {  	[tilespmem:$0x9E0] =	vst v0  }
0x1e1: {  	[tilespmem:$0x9F0] =	vst v0  }
0x1e2: {  	[tilespmem:$0xA00] =	vst v0  }
0x1e3: {  	[tilespmem:$0xA10] =	vst v0  }
0x1e4: {  	[tilespmem:$0xA20] =	vst v0  }
0x1e5: {  	[tilespmem:$0xA30] =	vst v0  }
0x1e6: {  	[tilespmem:$0xA40] =	vst v0  }
0x1e7: {  	[tilespmem:$0xA50] =	vst v0  }
0x1e8: {  	[tilespmem:$0xA60] =	vst v0  }
0x1e9: {  	[tilespmem:$0xA70] =	vst v0  }
0x1ea: {  	[tilespmem:$0xA80] =	vst v0  }
0x1eb: {  	[tilespmem:$0xA90] =	vst v0  }
0x1ec: {  	[tilespmem:$0xAA0] =	vst v0  }
0x1ed: {  	[tilespmem:$0xAB0] =	vst v0  }
0x1ee: {  	[tilespmem:$0xAC0] =	vst v0  }
0x1ef: {  	[tilespmem:$0xAD0] =	vst v0  }
0x1f0: {  	[tilespmem:$0xAE0] =	vst v0  }
0x1f1: {  	[tilespmem:$0xAF0] =	vst v0  }
0x1f2: {  	[tilespmem:$0xB00] =	vst v0  }
0x1f3: {  	[tilespmem:$0xB10] =	vst v0  }
0x1f4: {  	[tilespmem:$0xB20] =	vst v0  }
0x1f5: {  	[tilespmem:$0xB30] =	vst v0  }
0x1f6: {  	[tilespmem:$0xB40] =	vst v0  }
0x1f7: {  	[tilespmem:$0xB50] =	vst v0  }
0x1f8: {  	[tilespmem:$0xB60] =	vst v0  }
0x1f9: {  	[tilespmem:$0xB70] =	vst v0  }
0x1fa: {  	[tilespmem:$0xB80] =	vst v0  }
0x1fb: {  	[tilespmem:$0xB90] =	vst v0  }
0x1fc: {  	[tilespmem:$0xBA0] =	vst v0  }
0x1fd: {  	[tilespmem:$0xBB0] =	vst v0  }
0x1fe: {  	[tilespmem:$0xBC0] =	vst v0  }
0x1ff: {  	[tilespmem:$0xBD0] =	vst v0  }
0x200: {  	[tilespmem:$0xBE0] =	vst v0  }
.Ltmp2:
0x201: {  	[tilespmem:$0xBF0] =	vst v0;
	s6 =	rddreg [dreg:$0x4];
	(pc) =	sbr.rel @p0 .LBB2_3-.Ltmp2, $4  }
0x202: {  	[tilespmem:s2], [sflag:$0x1] =	stream.linear.gather [hbm4b:s6+s2], $0x400, $0x38;
	[tilespmem:$0x5080] =	vst v63  }
0x203: {  	_ =	swait.ge [sflag:s3], $0x400  }
0x204: {  	[sflag:s3] =	ssyncset.done $0x0  }
0x205: {  	[sflag:s3] =	ssyncadd.s32 $0xFFFFFC00  }
0x206: {  	s6 =	sld [smem:$0x7FD];
	_ =	sdelay $0x1  }
.Ltmp3:
0x207: {  	s7 =	simm.s32 $0x400;
	(pc) =	sbr.rel .LBB2_4-.Ltmp3, $4  }
0x208: {  	[tilespmem:s7], [sflag:$0x1] =	stream.linear.gather [hbm4b:s6+s2], $0x400, $0x38;
	[tilespmem:$0x5080] =	vst v63  }
0x209: {  	_ =	swait.ge [sflag:s3], $0x400  }
0x20a: {  	[sflag:s3] =	ssyncset.done $0x0  }
0x20b: {  	[sflag:s3] =	ssyncadd.s32 $0xFFFFFC00  }
.LBB2_5:
0x20c: {  	_ =	sfence.sel $0x180000  }
0x20d: {  	[bflag:$0x0] =	sbarrier.arrive $0xFFFF  }
0x20e: {  	_ =	strace $0x90000047  }
0x20f: {  	s0 =	stileid.u32;
	[bflag:$0x2] =	sbarrier.arrive $0xFFFF  }
0x210: {  	p0 =	sne.s32 s0, $0x0;
	s0 =	rddreg [dreg:$0x3]  }
0x211: {  	s0 =	sadd.s32 @!p0 $0x100000, s0  }
0x212: {  	[sflag:s0] =	ssyncadd.tile.s32 @!p0 $0x1;
	_ =	shalt  }
.Lfunc_end2:
_tile_overlayer_lowered:
.L_overlay_start_2:
0x213: {  	(tag) =	ssettag $0x2  }
0x214: {  	s0 =	rddreg [dreg:$0x0];
	s2 =	stileid.u32  }
0x215: {  	s1 =	rddreg [dreg:$0x1];
	p0 =	sne.s32 s2, $0x0  }
0x216: {  	s3 =	rddreg [dreg:$0x2];
	[bflag:$0x3] =	sbarrier.arrive $0xFFFF;
	s2 =	simm.s32 @!p0 $0x1C01  }
0x217: {  	[timem:s3], [sflag:s2] =	dma.local @!p0 [hbm:s0], s1  }
0x218: {  	s0 =	simm.s32 @!p0 $0x1  }
0x219: {  	_ =	swait.ge @!p0 [sflag:s0], s1  }
0x21a: {  	s1 =	ssub.s32 @!p0 $0x0, s1;
	[sflag:s0] =	ssyncset.done @!p0 $0x0  }
0x21b: {  	[sflag:s0] =	ssyncadd.s32 @!p0 s1  }
0x21c: {  	[bflag:$0x3] =	sbarrier.arrive $0xFFFF  }
0x21d: {  	_ =	shalt  }

</sc_bundles>
